<compile_context>
chip_gen: v7x
topology: tpu7x:2x2x1
jax: 0.10.2.dev20260603
libtpu: 0.0.44.dev20260713+nightly
codegen_flags: <defaults>
</compile_context>

<pallas_src>
import functools

import jax
import jax.numpy as jnp
from jax import lax
from jax.experimental import pallas as pl
from jax.experimental.pallas import tpu as pltpu
from jax.experimental.pallas import tpu_sc as plsc

_EMB_DIM = 128
_NF = 9
_VOCABS = (119, 5, 12, 12, 10, 6, 6, 2, 2)
_NW = 32
_CHUNK = 64
_PER_W = 3200


def _sc_kernel(table_hbm, idx_hbm, out_hbm, idx_v, rows_v, out_v, sem):
    n = out_hbm.shape[0]
    wid = lax.axis_index("s") * 2 + lax.axis_index("c")
    w_base = wid * _PER_W
    todo = jnp.maximum(jnp.minimum(_PER_W, n - w_base), 0)
    n_rounds = (todo + _CHUNK - 1) // _CHUNK

    def round_body(r, _):
        base = jnp.minimum(w_base + r * _CHUNK, n - _CHUNK)
        pltpu.sync_copy(idx_hbm.at[pl.ds(base * _NF, _CHUNK * _NF)], idx_v)
        pltpu.async_copy(table_hbm.at[idx_v], rows_v, sem).wait()

        def atom_body(a, _):
            j = a * _NF
            for s in range(_EMB_DIM // 16):
                acc = rows_v[j, pl.ds(16 * s, 16)]
                for i in range(1, _NF):
                    acc = acc + rows_v[j + i, pl.ds(16 * s, 16)]
                out_v[a, pl.ds(16 * s, 16)] = acc
            return 0

        lax.fori_loop(0, _CHUNK, atom_body, 0)
        pltpu.sync_copy(out_v, out_hbm.at[pl.ds(base, _CHUNK)])
        return 0

    lax.fori_loop(0, n_rounds, round_body, 0)


def kernel(x, emb_0, emb_1, emb_2, emb_3, emb_4, emb_5, emb_6, emb_7, emb_8):
    tables = (emb_0, emb_1, emb_2, emb_3, emb_4, emb_5, emb_6, emb_7, emb_8)
    table = jnp.concatenate(tables, axis=0)
    offs = []
    o = 0
    for v in _VOCABS:
        offs.append(o)
        o += v
    n = x.shape[0]
    idx = (x + jnp.array(offs, jnp.int32)[None, :]).reshape(-1)

    run = functools.partial(
        pl.kernel,
        out_type=jax.ShapeDtypeStruct((n, _EMB_DIM), jnp.float32),
        mesh=plsc.VectorSubcoreMesh(core_axis_name="c", subcore_axis_name="s"),
        scratch_types=[
            pltpu.VMEM((_CHUNK * _NF,), jnp.int32),
            pltpu.VMEM((_CHUNK * _NF, _EMB_DIM), jnp.float32),
            pltpu.VMEM((_CHUNK, _EMB_DIM), jnp.float32),
            pltpu.SemaphoreType.DMA,
        ],
    )(_sc_kernel)
    return run(table, idx)

# --- scband reference (transcript-rebuilt; emitter-appended) ---
"""Pipeline reference for scband-atom-encoder-20804821582201 (READ-ONLY COPY).

The authoritative reference and input builder live on the scoring server;
editing this copy changes nothing except your own understanding.
"""

import jax, jax.numpy as jnp
import numpy as np

VOCABS = [119, 5, 12, 12, 10, 6, 6, 2, 2]
EMB_DIM = 128
N = 100000


def setup_inputs(seed: int = 0) -> dict:
    key = jax.random.key(seed)
    ks = jax.random.split(key, len(VOCABS) + 1)
    inp = {
        "x": jax.random.randint(ks[0], (N, len(VOCABS)), 0, 2, dtype=jnp.int32)
    }
    for i, v in enumerate(VOCABS):
        bound = float(np.sqrt(6.0 / (v + EMB_DIM)))  # xavier_uniform
        inp[f"emb_{i}"] = jax.random.uniform(
            ks[i + 1], (v, EMB_DIM), minval=-bound, maxval=bound, dtype=jnp.float32
        )
    return inp


def reference(x, emb_0, emb_1, emb_2, emb_3, emb_4, emb_5, emb_6, emb_7, emb_8):
    tables = [emb_0, emb_1, emb_2, emb_3, emb_4, emb_5, emb_6, emb_7, emb_8]
    x_embedding = jnp.zeros((x.shape[0], EMB_DIM), dtype=jnp.float32)
    for i, t in enumerate(tables):
        x_embedding = x_embedding + jnp.take(t, x[:, i].astype(jnp.int32), axis=0)
    return x_embedding

if __name__ == "__main__":
    import jax
    _d = setup_inputs()
    print(jax.jit(kernel)(*tuple(_d.values())))

</pallas_src>

<mosaic_0001>
#map = affine_map<(d0, d1) -> (0, 0)>
#map1 = affine_map<(d0, d1) -> (0)>
module attributes {stable_mosaic.version = 14 : i64} {
  func.func @_sc_kernel(%arg0: i32, %arg1: i32, %arg2: memref<174x128xf32, #tpu.memory_space<hbm>>, %arg3: memref<900000xi32, #tpu.memory_space<hbm>>, %arg4: memref<100000x128xf32, #tpu.memory_space<hbm>>, %arg5: memref<576xi32, #tpu.memory_space<vmem>>, %arg6: memref<576x128xf32, #tpu.memory_space<vmem>>, %arg7: memref<64x128xf32, #tpu.memory_space<vmem>>, %arg8: memref<!tpu.dma_semaphore, #tpu.memory_space<semaphore_mem>>) attributes {dimension_semantics = [#tpu.dimension_semantics<core_parallel>, #tpu.dimension_semantics<subcore_parallel>], iteration_bounds = array<i64: 2, 16>, scalar_prefetch = 0 : i64, scratch_operands = 4 : i64, tpu.core_type = #tpu.core_type<sc_vector_subcore>, window_params = [{transform_indices = #map}, {transform_indices = #map1}, {transform_indices = #map}]} {
    %mul3A = arith.constant 2 : i32
    %mul3A_0 = arith.muli %arg1, %mul3A : i32
    %add3A = arith.addi %mul3A_0, %arg0 : i32
    %mul3A_1 = arith.constant 3200 : i32
    %mul3A_2 = arith.muli %add3A, %mul3A_1 : i32
    %sub3A = arith.constant 100000 : i32
    %sub3A_3 = arith.subi %sub3A, %mul3A_2 : i32
    %min3A = arith.constant 3200 : i32
    %min3A_4 = arith.minsi %min3A, %sub3A_3 : i32
    %max3A = arith.constant 0 : i32
    %max3A_5 = arith.maxsi %min3A_4, %max3A : i32
    %add3A_6 = arith.constant 64 : i32
    %add3A_7 = arith.addi %max3A_5, %add3A_6 : i32
    %sub3A_8 = arith.constant 1 : i32
    %sub3A_9 = arith.subi %add3A_7, %sub3A_8 : i32
    %jit3A = arith.constant 64 : i32
    %div3A = arith.divsi %sub3A_9, %jit3A : i32
    %sign3A = arith.constant 0 : i32
    %sign3A_10 = arith.cmpi sgt, %sub3A_9, %sign3A : i32
    %sign3A_11 = arith.extui %sign3A_10 : i1 to i32
    %sign3A_12 = arith.constant 0 : i32
    %sign3A_13 = arith.cmpi slt, %sub3A_9, %sign3A_12 : i32
    %sign3A_14 = arith.extui %sign3A_13 : i1 to i32
    %sign3A_15 = arith.subi %sign3A_11, %sign3A_14 : i32
    %sign3A_16 = arith.constant 0 : i32
    %sign3A_17 = arith.cmpi sgt, %jit3A, %sign3A_16 : i32
    %sign3A_18 = arith.extui %sign3A_17 : i1 to i32
    %sign3A_19 = arith.constant 0 : i32
    %sign3A_20 = arith.cmpi slt, %jit3A, %sign3A_19 : i32
    %sign3A_21 = arith.extui %sign3A_20 : i1 to i32
    %sign3A_22 = arith.subi %sign3A_18, %sign3A_21 : i32
    %ne3A = arith.cmpi ne, %sign3A_15, %sign3A_22 : i32
    %rem3A = arith.remsi %sub3A_9, %jit3A : i32
    %ne3A_23 = arith.constant 0 : i32
    %ne3A_24 = arith.cmpi ne, %rem3A, %ne3A_23 : i32
    %and3A = arith.andi %ne3A, %ne3A_24 : i1
    %sub3A_25 = arith.constant 1 : i32
    %sub3A_26 = arith.subi %div3A, %sub3A_25 : i32
    %select_n3A = arith.select %and3A, %sub3A_26, %div3A : i32
    %while3A = arith.constant 0 : i32
    %while3A_27 = arith.constant 0 : i32
    %while3A_28 = arith.subi %select_n3A, %while3A : i32
    %while3A_29 = arith.addi %while3A, %while3A_28 : i32
    %while3A_30 = arith.constant 1 : i32
    %while3A_31 = arith.divsi %while3A_28, %while3A_30 : i32
    %while3A_32 = arith.muli %while3A_31, %while3A_30 : i32
    %while3A_33 = arith.addi %while3A, %while3A_32 : i32
    %while3A_34 = arith.constant 1 : i32
    %while3A_35 = scf.for %while3A_38 = %while3A to %while3A_33 step %while3A_34 iter_args(%while3A_39 = %while3A_27) -> (i32)  : i32 {
      %mul3A_40 = arith.constant 64 : i32
      %mul3A_41 = arith.muli %while3A_38, %mul3A_40 : i32
      %add3A_42 = arith.addi %mul3A_2, %mul3A_41 : i32
      %min3A_43 = arith.constant 99936 : i32
      %min3A_44 = arith.minsi %add3A_42, %min3A_43 : i32
      %mul3A_45 = arith.constant 9 : i32
      %mul3A_46 = arith.muli %min3A_44, %mul3A_45 : i32
      "tpu.region"() ({
        %run_scoped3A = tpu.sem_alloc : memref<!tpu.dma_semaphore, #tpu.memory_space<semaphore_mem>>
        %dma_start3A_58 = tpu.memref_slice %arg3[%mul3A_46] : memref<900000xi32, #tpu.memory_space<hbm>> -> memref<576xi32, #tpu.memory_space<hbm>>
        %dma_start3A_59 = tpu.memref_slice %arg3[%mul3A_46] : memref<900000xi32, #tpu.memory_space<hbm>> -> memref<576xi32, #tpu.memory_space<hbm>>
        tpu.enqueue_dma source(%dma_start3A_59 : memref<576xi32, #tpu.memory_space<hbm>>) target(%arg5 : memref<576xi32, #tpu.memory_space<vmem>>) target_semaphore(%run_scoped3A : memref<!tpu.dma_semaphore, #tpu.memory_space<semaphore_mem>>)
        %dma_wait3A_60 = tpu.memref_slice %arg3[%mul3A_46] : memref<900000xi32, #tpu.memory_space<hbm>> -> memref<576xi32, #tpu.memory_space<hbm>>
        %dma_wait3A_61 = tpu.memref_slice %arg3[%mul3A_46] : memref<900000xi32, #tpu.memory_space<hbm>> -> memref<576xi32, #tpu.memory_space<hbm>>
        tpu.wait_dma2 semaphore(%run_scoped3A : memref<!tpu.dma_semaphore, #tpu.memory_space<semaphore_mem>>) src(%dma_wait3A_61 : memref<576xi32, #tpu.memory_space<hbm>>) dst(%arg5 : memref<576xi32, #tpu.memory_space<vmem>>)
        tpu.yield
      }) : () -> ()
      %dma_start3A = arith.constant 0 : i32
      %dma_start3A_47 = arith.constant 0 : i32
      %dma_start3A_48 = tpu.memref_slice %arg2[%dma_start3A, %dma_start3A_47] : memref<174x128xf32, #tpu.memory_space<hbm>> -> memref<174x128xf32, #tpu.memory_space<hbm>>
      tpu.enqueue_indirect_dma source(%dma_start3A_48 : memref<174x128xf32, #tpu.memory_space<hbm>>) target(%arg6 : memref<576x128xf32, #tpu.memory_space<vmem>>) offsets(%arg5 : memref<576xi32, #tpu.memory_space<vmem>>) semaphore(%arg8 : memref<!tpu.dma_semaphore, #tpu.memory_space<semaphore_mem>>)
      %dma_wait3A = arith.constant 0 : i32
      %dma_wait3A_49 = arith.constant 0 : i32
      %dma_wait3A_50 = tpu.memref_slice %arg2[%dma_wait3A, %dma_wait3A_49] : memref<174x128xf32, #tpu.memory_space<hbm>> -> memref<174x128xf32, #tpu.memory_space<hbm>>
      tpu.wait_indirect_dma semaphore(%arg8 : memref<!tpu.dma_semaphore, #tpu.memory_space<semaphore_mem>>) src(%dma_wait3A_50 : memref<174x128xf32, #tpu.memory_space<hbm>>) dst(%arg6 : memref<576x128xf32, #tpu.memory_space<vmem>>)
      %scan3A = arith.constant 0 : i32
      %scan3A_51 = arith.constant 0 : i32
      %scan3A_52 = arith.constant 64 : i32
      %scan3A_53 = arith.addi %scan3A_51, %scan3A_52 : i32
      %scan3A_54 = arith.constant 1 : i32
      %scan3A_55 = scf.for %scan3A_58 = %scan3A_51 to %scan3A_53 step %scan3A_54 iter_args(%scan3A_59 = %scan3A) -> (i32)  : i32 {
        %mul3A_60 = arith.constant 9 : i32
        %mul3A_61 = arith.muli %scan3A_58, %mul3A_60 : i32
        %get3A = arith.index_cast %mul3A_61 : i32 to index
        %get3A_62 = arith.constant 0 : index
        %get3A_63 = tpu.vector_load %arg6[%get3A, %get3A_62] {strides = array<i32>} : memref<576x128xf32, #tpu.memory_space<vmem>>, vector<1x16xf32>,
        %get3A_64 = vector.shape_cast %get3A_63 : vector<1x16xf32> to vector<16xf32>
        %add3A_65 = arith.constant 1 : i32
        %add3A_66 = arith.addi %mul3A_61, %add3A_65 : i32
        %get3A_67 = arith.index_cast %add3A_66 : i32 to index
        %get3A_68 = arith.constant 0 : index
        %get3A_69 = tpu.vector_load %arg6[%get3A_67, %get3A_68] {strides = array<i32>} : memref<576x128xf32, #tpu.memory_space<vmem>>, vector<1x16xf32>,
        %get3A_70 = vector.shape_cast %get3A_69 : vector<1x16xf32> to vector<16xf32>
        %add3A_71 = arith.addf %get3A_64, %get3A_70 : vector<16xf32>
        %add3A_72 = arith.constant 2 : i32
        %add3A_73 = arith.addi %mul3A_61, %add3A_72 : i32
        %get3A_74 = arith.index_cast %add3A_73 : i32 to index
        %get3A_75 = arith.constant 0 : index
        %get3A_76 = tpu.vector_load %arg6[%get3A_74, %get3A_75] {strides = array<i32>} : memref<576x128xf32, #tpu.memory_space<vmem>>, vector<1x16xf32>,
        %get3A_77 = vector.shape_cast %get3A_76 : vector<1x16xf32> to vector<16xf32>
        %add3A_78 = arith.addf %add3A_71, %get3A_77 : vector<16xf32>
        %add3A_79 = arith.constant 3 : i32
        %add3A_80 = arith.addi %mul3A_61, %add3A_79 : i32
        %get3A_81 = arith.index_cast %add3A_80 : i32 to index
        %get3A_82 = arith.constant 0 : index
        %get3A_83 = tpu.vector_load %arg6[%get3A_81, %get3A_82] {strides = array<i32>} : memref<576x128xf32, #tpu.memory_space<vmem>>, vector<1x16xf32>,
        %get3A_84 = vector.shape_cast %get3A_83 : vector<1x16xf32> to vector<16xf32>
        %add3A_85 = arith.addf %add3A_78, %get3A_84 : vector<16xf32>
        %add3A_86 = arith.constant 4 : i32
        %add3A_87 = arith.addi %mul3A_61, %add3A_86 : i32
        %get3A_88 = arith.index_cast %add3A_87 : i32 to index
        %get3A_89 = arith.constant 0 : index
        %get3A_90 = tpu.vector_load %arg6[%get3A_88, %get3A_89] {strides = array<i32>} : memref<576x128xf32, #tpu.memory_space<vmem>>, vector<1x16xf32>,
        %get3A_91 = vector.shape_cast %get3A_90 : vector<1x16xf32> to vector<16xf32>
        %add3A_92 = arith.addf %add3A_85, %get3A_91 : vector<16xf32>
        %add3A_93 = arith.constant 5 : i32
        %add3A_94 = arith.addi %mul3A_61, %add3A_93 : i32
        %get3A_95 = arith.index_cast %add3A_94 : i32 to index
        %get3A_96 = arith.constant 0 : index
        %get3A_97 = tpu.vector_load %arg6[%get3A_95, %get3A_96] {strides = array<i32>} : memref<576x128xf32, #tpu.memory_space<vmem>>, vector<1x16xf32>,
        %get3A_98 = vector.shape_cast %get3A_97 : vector<1x16xf32> to vector<16xf32>
        %add3A_99 = arith.addf %add3A_92, %get3A_98 : vector<16xf32>
        %add3A_100 = arith.constant 6 : i32
        %add3A_101 = arith.addi %mul3A_61, %add3A_100 : i32
        %get3A_102 = arith.index_cast %add3A_101 : i32 to index
        %get3A_103 = arith.constant 0 : index
        %get3A_104 = tpu.vector_load %arg6[%get3A_102, %get3A_103] {strides = array<i32>} : memref<576x128xf32, #tpu.memory_space<vmem>>, vector<1x16xf32>,
        %get3A_105 = vector.shape_cast %get3A_104 : vector<1x16xf32> to vector<16xf32>
        %add3A_106 = arith.addf %add3A_99, %get3A_105 : vector<16xf32>
        %add3A_107 = arith.constant 7 : i32
        %add3A_108 = arith.addi %mul3A_61, %add3A_107 : i32
        %get3A_109 = arith.index_cast %add3A_108 : i32 to index
        %get3A_110 = arith.constant 0 : index
        %get3A_111 = tpu.vector_load %arg6[%get3A_109, %get3A_110] {strides = array<i32>} : memref<576x128xf32, #tpu.memory_space<vmem>>, vector<1x16xf32>,
        %get3A_112 = vector.shape_cast %get3A_111 : vector<1x16xf32> to vector<16xf32>
        %add3A_113 = arith.addf %add3A_106, %get3A_112 : vector<16xf32>
        %add3A_114 = arith.constant 8 : i32
        %add3A_115 = arith.addi %mul3A_61, %add3A_114 : i32
        %get3A_116 = arith.index_cast %add3A_115 : i32 to index
        %get3A_117 = arith.constant 0 : index
        %get3A_118 = tpu.vector_load %arg6[%get3A_116, %get3A_117] {strides = array<i32>} : memref<576x128xf32, #tpu.memory_space<vmem>>, vector<1x16xf32>,
        %get3A_119 = vector.shape_cast %get3A_118 : vector<1x16xf32> to vector<16xf32>
        %add3A_120 = arith.addf %add3A_113, %get3A_119 : vector<16xf32>
        %swap3A = arith.index_cast %scan3A_58 : i32 to index
        %swap3A_121 = arith.constant 0 : index
        %swap3A_122 = tpu.vector_load %arg7[%swap3A, %swap3A_121] {strides = array<i32>} : memref<64x128xf32, #tpu.memory_space<vmem>>, vector<1x16xf32>,
        %swap3A_123 = vector.shape_cast %swap3A_122 : vector<1x16xf32> to vector<16xf32>
        %swap3A_124 = vector.shape_cast %add3A_120 : vector<16xf32> to vector<1x16xf32>
        tpu.vector_store %arg7[%swap3A, %swap3A_121], %swap3A_124 {strides = array<i32>} : memref<64x128xf32, #tpu.memory_space<vmem>>, vector<1x16xf32>,
        %get3A_125 = arith.index_cast %mul3A_61 : i32 to index
        %get3A_126 = arith.constant 16 : index
        %get3A_127 = tpu.vector_load %arg6[%get3A_125, %get3A_126] {strides = array<i32>} : memref<576x128xf32, #tpu.memory_space<vmem>>, vector<1x16xf32>,
        %get3A_128 = vector.shape_cast %get3A_127 : vector<1x16xf32> to vector<16xf32>
        %add3A_129 = arith.constant 1 : i32
        %add3A_130 = arith.addi %mul3A_61, %add3A_129 : i32
        %get3A_131 = arith.index_cast %add3A_130 : i32 to index
        %get3A_132 = arith.constant 16 : index
        %get3A_133 = tpu.vector_load %arg6[%get3A_131, %get3A_132] {strides = array<i32>} : memref<576x128xf32, #tpu.memory_space<vmem>>, vector<1x16xf32>,
        %get3A_134 = vector.shape_cast %get3A_133 : vector<1x16xf32> to vector<16xf32>
        %add3A_135 = arith.addf %get3A_128, %get3A_134 : vector<16xf32>
        %add3A_136 = arith.constant 2 : i32
        %add3A_137 = arith.addi %mul3A_61, %add3A_136 : i32
        %get3A_138 = arith.index_cast %add3A_137 : i32 to index
        %get3A_139 = arith.constant 16 : index
        %get3A_140 = tpu.vector_load %arg6[%get3A_138, %get3A_139] {strides = array<i32>} : memref<576x128xf32, #tpu.memory_space<vmem>>, vector<1x16xf32>,
        %get3A_141 = vector.shape_cast %get3A_140 : vector<1x16xf32> to vector<16xf32>
        %add3A_142 = arith.addf %add3A_135, %get3A_141 : vector<16xf32>
        %add3A_143 = arith.constant 3 : i32
        %add3A_144 = arith.addi %mul3A_61, %add3A_143 : i32
        %get3A_145 = arith.index_cast %add3A_144 : i32 to index
        %get3A_146 = arith.constant 16 : index
        %get3A_147 = tpu.vector_load %arg6[%get3A_145, %get3A_146] {strides = array<i32>} : memref<576x128xf32, #tpu.memory_space<vmem>>, vector<1x16xf32>,
        %get3A_148 = vector.shape_cast %get3A_147 : vector<1x16xf32> to vector<16xf32>
        %add3A_149 = arith.addf %add3A_142, %get3A_148 : vector<16xf32>
        %add3A_150 = arith.constant 4 : i32
        %add3A_151 = arith.addi %mul3A_61, %add3A_150 : i32
        %get3A_152 = arith.index_cast %add3A_151 : i32 to index
        %get3A_153 = arith.constant 16 : index
        %get3A_154 = tpu.vector_load %arg6[%get3A_152, %get3A_153] {strides = array<i32>} : memref<576x128xf32, #tpu.memory_space<vmem>>, vector<1x16xf32>,
        %get3A_155 = vector.shape_cast %get3A_154 : vector<1x16xf32> to vector<16xf32>
        %add3A_156 = arith.addf %add3A_149, %get3A_155 : vector<16xf32>
        %add3A_157 = arith.constant 5 : i32
        %add3A_158 = arith.addi %mul3A_61, %add3A_157 : i32
        %get3A_159 = arith.index_cast %add3A_158 : i32 to index
        %get3A_160 = arith.constant 16 : index
        %get3A_161 = tpu.vector_load %arg6[%get3A_159, %get3A_160] {strides = array<i32>} : memref<576x128xf32, #tpu.memory_space<vmem>>, vector<1x16xf32>,
        %get3A_162 = vector.shape_cast %get3A_161 : vector<1x16xf32> to vector<16xf32>
        %add3A_163 = arith.addf %add3A_156, %get3A_162 : vector<16xf32>
        %add3A_164 = arith.constant 6 : i32
        %add3A_165 = arith.addi %mul3A_61, %add3A_164 : i32
        %get3A_166 = arith.index_cast %add3A_165 : i32 to index
        %get3A_167 = arith.constant 16 : index
        %get3A_168 = tpu.vector_load %arg6[%get3A_166, %get3A_167] {strides = array<i32>} : memref<576x128xf32, #tpu.memory_space<vmem>>, vector<1x16xf32>,
        %get3A_169 = vector.shape_cast %get3A_168 : vector<1x16xf32> to vector<16xf32>
        %add3A_170 = arith.addf %add3A_163, %get3A_169 : vector<16xf32>
        %add3A_171 = arith.constant 7 : i32
        %add3A_172 = arith.addi %mul3A_61, %add3A_171 : i32
        %get3A_173 = arith.index_cast %add3A_172 : i32 to index
        %get3A_174 = arith.constant 16 : index
        %get3A_175 = tpu.vector_load %arg6[%get3A_173, %get3A_174] {strides = array<i32>} : memref<576x128xf32, #tpu.memory_space<vmem>>, vector<1x16xf32>,
        %get3A_176 = vector.shape_cast %get3A_175 : vector<1x16xf32> to vector<16xf32>
        %add3A_177 = arith.addf %add3A_170, %get3A_176 : vector<16xf32>
        %add3A_178 = arith.constant 8 : i32
        %add3A_179 = arith.addi %mul3A_61, %add3A_178 : i32
        %get3A_180 = arith.index_cast %add3A_179 : i32 to index
        %get3A_181 = arith.constant 16 : index
        %get3A_182 = tpu.vector_load %arg6[%get3A_180, %get3A_181] {strides = array<i32>} : memref<576x128xf32, #tpu.memory_space<vmem>>, vector<1x16xf32>,
        %get3A_183 = vector.shape_cast %get3A_182 : vector<1x16xf32> to vector<16xf32>
        %add3A_184 = arith.addf %add3A_177, %get3A_183 : vector<16xf32>
        %swap3A_185 = arith.index_cast %scan3A_58 : i32 to index
        %swap3A_186 = arith.constant 16 : index
        %swap3A_187 = tpu.vector_load %arg7[%swap3A_185, %swap3A_186] {strides = array<i32>} : memref<64x128xf32, #tpu.memory_space<vmem>>, vector<1x16xf32>,
        %swap3A_188 = vector.shape_cast %swap3A_187 : vector<1x16xf32> to vector<16xf32>
        %swap3A_189 = vector.shape_cast %add3A_184 : vector<16xf32> to vector<1x16xf32>
        tpu.vector_store %arg7[%swap3A_185, %swap3A_186], %swap3A_189 {strides = array<i32>} : memref<64x128xf32, #tpu.memory_space<vmem>>, vector<1x16xf32>,
        %get3A_190 = arith.index_cast %mul3A_61 : i32 to index
        %get3A_191 = arith.constant 32 : index
        %get3A_192 = tpu.vector_load %arg6[%get3A_190, %get3A_191] {strides = array<i32>} : memref<576x128xf32, #tpu.memory_space<vmem>>, vector<1x16xf32>,
        %get3A_193 = vector.shape_cast %get3A_192 : vector<1x16xf32> to vector<16xf32>
        %add3A_194 = arith.constant 1 : i32
        %add3A_195 = arith.addi %mul3A_61, %add3A_194 : i32
        %get3A_196 = arith.index_cast %add3A_195 : i32 to index
        %get3A_197 = arith.constant 32 : index
        %get3A_198 = tpu.vector_load %arg6[%get3A_196, %get3A_197] {strides = array<i32>} : memref<576x128xf32, #tpu.memory_space<vmem>>, vector<1x16xf32>,
        %get3A_199 = vector.shape_cast %get3A_198 : vector<1x16xf32> to vector<16xf32>
        %add3A_200 = arith.addf %get3A_193, %get3A_199 : vector<16xf32>
        %add3A_201 = arith.constant 2 : i32
        %add3A_202 = arith.addi %mul3A_61, %add3A_201 : i32
        %get3A_203 = arith.index_cast %add3A_202 : i32 to index
        %get3A_204 = arith.constant 32 : index
        %get3A_205 = tpu.vector_load %arg6[%get3A_203, %get3A_204] {strides = array<i32>} : memref<576x128xf32, #tpu.memory_space<vmem>>, vector<1x16xf32>,
        %get3A_206 = vector.shape_cast %get3A_205 : vector<1x16xf32> to vector<16xf32>
        %add3A_207 = arith.addf %add3A_200, %get3A_206 : vector<16xf32>
        %add3A_208 = arith.constant 3 : i32
        %add3A_209 = arith.addi %mul3A_61, %add3A_208 : i32
        %get3A_210 = arith.index_cast %add3A_209 : i32 to index
        %get3A_211 = arith.constant 32 : index
        %get3A_212 = tpu.vector_load %arg6[%get3A_210, %get3A_211] {strides = array<i32>} : memref<576x128xf32, #tpu.memory_space<vmem>>, vector<1x16xf32>,
        %get3A_213 = vector.shape_cast %get3A_212 : vector<1x16xf32> to vector<16xf32>
        %add3A_214 = arith.addf %add3A_207, %get3A_213 : vector<16xf32>
        %add3A_215 = arith.constant 4 : i32
        %add3A_216 = arith.addi %mul3A_61, %add3A_215 : i32
        %get3A_217 = arith.index_cast %add3A_216 : i32 to index
        %get3A_218 = arith.constant 32 : index
        %get3A_219 = tpu.vector_load %arg6[%get3A_217, %get3A_218] {strides = array<i32>} : memref<576x128xf32, #tpu.memory_space<vmem>>, vector<1x16xf32>,
        %get3A_220 = vector.shape_cast %get3A_219 : vector<1x16xf32> to vector<16xf32>
        %add3A_221 = arith.addf %add3A_214, %get3A_220 : vector<16xf32>
        %add3A_222 = arith.constant 5 : i32
        %add3A_223 = arith.addi %mul3A_61, %add3A_222 : i32
        %get3A_224 = arith.index_cast %add3A_223 : i32 to index
        %get3A_225 = arith.constant 32 : index
        %get3A_226 = tpu.vector_load %arg6[%get3A_224, %get3A_225] {strides = array<i32>} : memref<576x128xf32, #tpu.memory_space<vmem>>, vector<1x16xf32>,
        %get3A_227 = vector.shape_cast %get3A_226 : vector<1x16xf32> to vector<16xf32>
        %add3A_228 = arith.addf %add3A_221, %get3A_227 : vector<16xf32>
        %add3A_229 = arith.constant 6 : i32
        %add3A_230 = arith.addi %mul3A_61, %add3A_229 : i32
        %get3A_231 = arith.index_cast %add3A_230 : i32 to index
        %get3A_232 = arith.constant 32 : index
        %get3A_233 = tpu.vector_load %arg6[%get3A_231, %get3A_232] {strides = array<i32>} : memref<576x128xf32, #tpu.memory_space<vmem>>, vector<1x16xf32>,
        %get3A_234 = vector.shape_cast %get3A_233 : vector<1x16xf32> to vector<16xf32>
        %add3A_235 = arith.addf %add3A_228, %get3A_234 : vector<16xf32>
        %add3A_236 = arith.constant 7 : i32
        %add3A_237 = arith.addi %mul3A_61, %add3A_236 : i32
        %get3A_238 = arith.index_cast %add3A_237 : i32 to index
        %get3A_239 = arith.constant 32 : index
        %get3A_240 = tpu.vector_load %arg6[%get3A_238, %get3A_239] {strides = array<i32>} : memref<576x128xf32, #tpu.memory_space<vmem>>, vector<1x16xf32>,
        %get3A_241 = vector.shape_cast %get3A_240 : vector<1x16xf32> to vector<16xf32>
        %add3A_242 = arith.addf %add3A_235, %get3A_241 : vector<16xf32>
        %add3A_243 = arith.constant 8 : i32
        %add3A_244 = arith.addi %mul3A_61, %add3A_243 : i32
        %get3A_245 = arith.index_cast %add3A_244 : i32 to index
        %get3A_246 = arith.constant 32 : index
        %get3A_247 = tpu.vector_load %arg6[%get3A_245, %get3A_246] {strides = array<i32>} : memref<576x128xf32, #tpu.memory_space<vmem>>, vector<1x16xf32>,
        %get3A_248 = vector.shape_cast %get3A_247 : vector<1x16xf32> to vector<16xf32>
        %add3A_249 = arith.addf %add3A_242, %get3A_248 : vector<16xf32>
        %swap3A_250 = arith.index_cast %scan3A_58 : i32 to index
        %swap3A_251 = arith.constant 32 : index
        %swap3A_252 = tpu.vector_load %arg7[%swap3A_250, %swap3A_251] {strides = array<i32>} : memref<64x128xf32, #tpu.memory_space<vmem>>, vector<1x16xf32>,
        %swap3A_253 = vector.shape_cast %swap3A_252 : vector<1x16xf32> to vector<16xf32>
        %swap3A_254 = vector.shape_cast %add3A_249 : vector<16xf32> to vector<1x16xf32>
        tpu.vector_store %arg7[%swap3A_250, %swap3A_251], %swap3A_254 {strides = array<i32>} : memref<64x128xf32, #tpu.memory_space<vmem>>, vector<1x16xf32>,
        %get3A_255 = arith.index_cast %mul3A_61 : i32 to index
        %get3A_256 = arith.constant 48 : index
        %get3A_257 = tpu.vector_load %arg6[%get3A_255, %get3A_256] {strides = array<i32>} : memref<576x128xf32, #tpu.memory_space<vmem>>, vector<1x16xf32>,
        %get3A_258 = vector.shape_cast %get3A_257 : vector<1x16xf32> to vector<16xf32>
        %add3A_259 = arith.constant 1 : i32
        %add3A_260 = arith.addi %mul3A_61, %add3A_259 : i32
        %get3A_261 = arith.index_cast %add3A_260 : i32 to index
        %get3A_262 = arith.constant 48 : index
        %get3A_263 = tpu.vector_load %arg6[%get3A_261, %get3A_262] {strides = array<i32>} : memref<576x128xf32, #tpu.memory_space<vmem>>, vector<1x16xf32>,
        %get3A_264 = vector.shape_cast %get3A_263 : vector<1x16xf32> to vector<16xf32>
        %add3A_265 = arith.addf %get3A_258, %get3A_264 : vector<16xf32>
        %add3A_266 = arith.constant 2 : i32
        %add3A_267 = arith.addi %mul3A_61, %add3A_266 : i32
        %get3A_268 = arith.index_cast %add3A_267 : i32 to index
        %get3A_269 = arith.constant 48 : index
        %get3A_270 = tpu.vector_load %arg6[%get3A_268, %get3A_269] {strides = array<i32>} : memref<576x128xf32, #tpu.memory_space<vmem>>, vector<1x16xf32>,
        %get3A_271 = vector.shape_cast %get3A_270 : vector<1x16xf32> to vector<16xf32>
        %add3A_272 = arith.addf %add3A_265, %get3A_271 : vector<16xf32>
        %add3A_273 = arith.constant 3 : i32
        %add3A_274 = arith.addi %mul3A_61, %add3A_273 : i32
        %get3A_275 = arith.index_cast %add3A_274 : i32 to index
        %get3A_276 = arith.constant 48 : index
        %get3A_277 = tpu.vector_load %arg6[%get3A_275, %get3A_276] {strides = array<i32>} : memref<576x128xf32, #tpu.memory_space<vmem>>, vector<1x16xf32>,
        %get3A_278 = vector.shape_cast %get3A_277 : vector<1x16xf32> to vector<16xf32>
        %add3A_279 = arith.addf %add3A_272, %get3A_278 : vector<16xf32>
        %add3A_280 = arith.constant 4 : i32
        %add3A_281 = arith.addi %mul3A_61, %add3A_280 : i32
        %get3A_282 = arith.index_cast %add3A_281 : i32 to index
        %get3A_283 = arith.constant 48 : index
        %get3A_284 = tpu.vector_load %arg6[%get3A_282, %get3A_283] {strides = array<i32>} : memref<576x128xf32, #tpu.memory_space<vmem>>, vector<1x16xf32>,
        %get3A_285 = vector.shape_cast %get3A_284 : vector<1x16xf32> to vector<16xf32>
        %add3A_286 = arith.addf %add3A_279, %get3A_285 : vector<16xf32>
        %add3A_287 = arith.constant 5 : i32
        %add3A_288 = arith.addi %mul3A_61, %add3A_287 : i32
        %get3A_289 = arith.index_cast %add3A_288 : i32 to index
        %get3A_290 = arith.constant 48 : index
        %get3A_291 = tpu.vector_load %arg6[%get3A_289, %get3A_290] {strides = array<i32>} : memref<576x128xf32, #tpu.memory_space<vmem>>, vector<1x16xf32>,
        %get3A_292 = vector.shape_cast %get3A_291 : vector<1x16xf32> to vector<16xf32>
        %add3A_293 = arith.addf %add3A_286, %get3A_292 : vector<16xf32>
        %add3A_294 = arith.constant 6 : i32
        %add3A_295 = arith.addi %mul3A_61, %add3A_294 : i32
        %get3A_296 = arith.index_cast %add3A_295 : i32 to index
        %get3A_297 = arith.constant 48 : index
        %get3A_298 = tpu.vector_load %arg6[%get3A_296, %get3A_297] {strides = array<i32>} : memref<576x128xf32, #tpu.memory_space<vmem>>, vector<1x16xf32>,
        %get3A_299 = vector.shape_cast %get3A_298 : vector<1x16xf32> to vector<16xf32>
        %add3A_300 = arith.addf %add3A_293, %get3A_299 : vector<16xf32>
        %add3A_301 = arith.constant 7 : i32
        %add3A_302 = arith.addi %mul3A_61, %add3A_301 : i32
        %get3A_303 = arith.index_cast %add3A_302 : i32 to index
        %get3A_304 = arith.constant 48 : index
        %get3A_305 = tpu.vector_load %arg6[%get3A_303, %get3A_304] {strides = array<i32>} : memref<576x128xf32, #tpu.memory_space<vmem>>, vector<1x16xf32>,
        %get3A_306 = vector.shape_cast %get3A_305 : vector<1x16xf32> to vector<16xf32>
        %add3A_307 = arith.addf %add3A_300, %get3A_306 : vector<16xf32>
        %add3A_308 = arith.constant 8 : i32
        %add3A_309 = arith.addi %mul3A_61, %add3A_308 : i32
        %get3A_310 = arith.index_cast %add3A_309 : i32 to index
        %get3A_311 = arith.constant 48 : index
        %get3A_312 = tpu.vector_load %arg6[%get3A_310, %get3A_311] {strides = array<i32>} : memref<576x128xf32, #tpu.memory_space<vmem>>, vector<1x16xf32>,
        %get3A_313 = vector.shape_cast %get3A_312 : vector<1x16xf32> to vector<16xf32>
        %add3A_314 = arith.addf %add3A_307, %get3A_313 : vector<16xf32>
        %swap3A_315 = arith.index_cast %scan3A_58 : i32 to index
        %swap3A_316 = arith.constant 48 : index
        %swap3A_317 = tpu.vector_load %arg7[%swap3A_315, %swap3A_316] {strides = array<i32>} : memref<64x128xf32, #tpu.memory_space<vmem>>, vector<1x16xf32>,
        %swap3A_318 = vector.shape_cast %swap3A_317 : vector<1x16xf32> to vector<16xf32>
        %swap3A_319 = vector.shape_cast %add3A_314 : vector<16xf32> to vector<1x16xf32>
        tpu.vector_store %arg7[%swap3A_315, %swap3A_316], %swap3A_319 {strides = array<i32>} : memref<64x128xf32, #tpu.memory_space<vmem>>, vector<1x16xf32>,
        %get3A_320 = arith.index_cast %mul3A_61 : i32 to index
        %get3A_321 = arith.constant 64 : index
        %get3A_322 = tpu.vector_load %arg6[%get3A_320, %get3A_321] {strides = array<i32>} : memref<576x128xf32, #tpu.memory_space<vmem>>, vector<1x16xf32>,
        %get3A_323 = vector.shape_cast %get3A_322 : vector<1x16xf32> to vector<16xf32>
        %add3A_324 = arith.constant 1 : i32
        %add3A_325 = arith.addi %mul3A_61, %add3A_324 : i32
        %get3A_326 = arith.index_cast %add3A_325 : i32 to index
        %get3A_327 = arith.constant 64 : index
        %get3A_328 = tpu.vector_load %arg6[%get3A_326, %get3A_327] {strides = array<i32>} : memref<576x128xf32, #tpu.memory_space<vmem>>, vector<1x16xf32>,
        %get3A_329 = vector.shape_cast %get3A_328 : vector<1x16xf32> to vector<16xf32>
        %add3A_330 = arith.addf %get3A_323, %get3A_329 : vector<16xf32>
        %add3A_331 = arith.constant 2 : i32
        %add3A_332 = arith.addi %mul3A_61, %add3A_331 : i32
        %get3A_333 = arith.index_cast %add3A_332 : i32 to index
        %get3A_334 = arith.constant 64 : index
        %get3A_335 = tpu.vector_load %arg6[%get3A_333, %get3A_334] {strides = array<i32>} : memref<576x128xf32, #tpu.memory_space<vmem>>, vector<1x16xf32>,
        %get3A_336 = vector.shape_cast %get3A_335 : vector<1x16xf32> to vector<16xf32>
        %add3A_337 = arith.addf %add3A_330, %get3A_336 : vector<16xf32>
        %add3A_338 = arith.constant 3 : i32
        %add3A_339 = arith.addi %mul3A_61, %add3A_338 : i32
        %get3A_340 = arith.index_cast %add3A_339 : i32 to index
        %get3A_341 = arith.constant 64 : index
        %get3A_342 = tpu.vector_load %arg6[%get3A_340, %get3A_341] {strides = array<i32>} : memref<576x128xf32, #tpu.memory_space<vmem>>, vector<1x16xf32>,
        %get3A_343 = vector.shape_cast %get3A_342 : vector<1x16xf32> to vector<16xf32>
        %add3A_344 = arith.addf %add3A_337, %get3A_343 : vector<16xf32>
        %add3A_345 = arith.constant 4 : i32
        %add3A_346 = arith.addi %mul3A_61, %add3A_345 : i32
        %get3A_347 = arith.index_cast %add3A_346 : i32 to index
        %get3A_348 = arith.constant 64 : index
        %get3A_349 = tpu.vector_load %arg6[%get3A_347, %get3A_348] {strides = array<i32>} : memref<576x128xf32, #tpu.memory_space<vmem>>, vector<1x16xf32>,
        %get3A_350 = vector.shape_cast %get3A_349 : vector<1x16xf32> to vector<16xf32>
        %add3A_351 = arith.addf %add3A_344, %get3A_350 : vector<16xf32>
        %add3A_352 = arith.constant 5 : i32
        %add3A_353 = arith.addi %mul3A_61, %add3A_352 : i32
        %get3A_354 = arith.index_cast %add3A_353 : i32 to index
        %get3A_355 = arith.constant 64 : index
        %get3A_356 = tpu.vector_load %arg6[%get3A_354, %get3A_355] {strides = array<i32>} : memref<576x128xf32, #tpu.memory_space<vmem>>, vector<1x16xf32>,
        %get3A_357 = vector.shape_cast %get3A_356 : vector<1x16xf32> to vector<16xf32>
        %add3A_358 = arith.addf %add3A_351, %get3A_357 : vector<16xf32>
        %add3A_359 = arith.constant 6 : i32
        %add3A_360 = arith.addi %mul3A_61, %add3A_359 : i32
        %get3A_361 = arith.index_cast %add3A_360 : i32 to index
        %get3A_362 = arith.constant 64 : index
        %get3A_363 = tpu.vector_load %arg6[%get3A_361, %get3A_362] {strides = array<i32>} : memref<576x128xf32, #tpu.memory_space<vmem>>, vector<1x16xf32>,
        %get3A_364 = vector.shape_cast %get3A_363 : vector<1x16xf32> to vector<16xf32>
        %add3A_365 = arith.addf %add3A_358, %get3A_364 : vector<16xf32>
        %add3A_366 = arith.constant 7 : i32
        %add3A_367 = arith.addi %mul3A_61, %add3A_366 : i32
        %get3A_368 = arith.index_cast %add3A_367 : i32 to index
        %get3A_369 = arith.constant 64 : index
        %get3A_370 = tpu.vector_load %arg6[%get3A_368, %get3A_369] {strides = array<i32>} : memref<576x128xf32, #tpu.memory_space<vmem>>, vector<1x16xf32>,
        %get3A_371 = vector.shape_cast %get3A_370 : vector<1x16xf32> to vector<16xf32>
        %add3A_372 = arith.addf %add3A_365, %get3A_371 : vector<16xf32>
        %add3A_373 = arith.constant 8 : i32
        %add3A_374 = arith.addi %mul3A_61, %add3A_373 : i32
        %get3A_375 = arith.index_cast %add3A_374 : i32 to index
        %get3A_376 = arith.constant 64 : index
        %get3A_377 = tpu.vector_load %arg6[%get3A_375, %get3A_376] {strides = array<i32>} : memref<576x128xf32, #tpu.memory_space<vmem>>, vector<1x16xf32>,
        %get3A_378 = vector.shape_cast %get3A_377 : vector<1x16xf32> to vector<16xf32>
        %add3A_379 = arith.addf %add3A_372, %get3A_378 : vector<16xf32>
        %swap3A_380 = arith.index_cast %scan3A_58 : i32 to index
        %swap3A_381 = arith.constant 64 : index
        %swap3A_382 = tpu.vector_load %arg7[%swap3A_380, %swap3A_381] {strides = array<i32>} : memref<64x128xf32, #tpu.memory_space<vmem>>, vector<1x16xf32>,
        %swap3A_383 = vector.shape_cast %swap3A_382 : vector<1x16xf32> to vector<16xf32>
        %swap3A_384 = vector.shape_cast %add3A_379 : vector<16xf32> to vector<1x16xf32>
        tpu.vector_store %arg7[%swap3A_380, %swap3A_381], %swap3A_384 {strides = array<i32>} : memref<64x128xf32, #tpu.memory_space<vmem>>, vector<1x16xf32>,
        %get3A_385 = arith.index_cast %mul3A_61 : i32 to index
        %get3A_386 = arith.constant 80 : index
        %get3A_387 = tpu.vector_load %arg6[%get3A_385, %get3A_386] {strides = array<i32>} : memref<576x128xf32, #tpu.memory_space<vmem>>, vector<1x16xf32>,
        %get3A_388 = vector.shape_cast %get3A_387 : vector<1x16xf32> to vector<16xf32>
        %add3A_389 = arith.constant 1 : i32
        %add3A_390 = arith.addi %mul3A_61, %add3A_389 : i32
        %get3A_391 = arith.index_cast %add3A_390 : i32 to index
        %get3A_392 = arith.constant 80 : index
        %get3A_393 = tpu.vector_load %arg6[%get3A_391, %get3A_392] {strides = array<i32>} : memref<576x128xf32, #tpu.memory_space<vmem>>, vector<1x16xf32>,
        %get3A_394 = vector.shape_cast %get3A_393 : vector<1x16xf32> to vector<16xf32>
        %add3A_395 = arith.addf %get3A_388, %get3A_394 : vector<16xf32>
        %add3A_396 = arith.constant 2 : i32
        %add3A_397 = arith.addi %mul3A_61, %add3A_396 : i32
        %get3A_398 = arith.index_cast %add3A_397 : i32 to index
        %get3A_399 = arith.constant 80 : index
        %get3A_400 = tpu.vector_load %arg6[%get3A_398, %get3A_399] {strides = array<i32>} : memref<576x128xf32, #tpu.memory_space<vmem>>, vector<1x16xf32>,
        %get3A_401 = vector.shape_cast %get3A_400 : vector<1x16xf32> to vector<16xf32>
        %add3A_402 = arith.addf %add3A_395, %get3A_401 : vector<16xf32>
        %add3A_403 = arith.constant 3 : i32
        %add3A_404 = arith.addi %mul3A_61, %add3A_403 : i32
        %get3A_405 = arith.index_cast %add3A_404 : i32 to index
        %get3A_406 = arith.constant 80 : index
        %get3A_407 = tpu.vector_load %arg6[%get3A_405, %get3A_406] {strides = array<i32>} : memref<576x128xf32, #tpu.memory_space<vmem>>, vector<1x16xf32>,
        %get3A_408 = vector.shape_cast %get3A_407 : vector<1x16xf32> to vector<16xf32>
        %add3A_409 = arith.addf %add3A_402, %get3A_408 : vector<16xf32>
        %add3A_410 = arith.constant 4 : i32
        %add3A_411 = arith.addi %mul3A_61, %add3A_410 : i32
        %get3A_412 = arith.index_cast %add3A_411 : i32 to index
        %get3A_413 = arith.constant 80 : index
        %get3A_414 = tpu.vector_load %arg6[%get3A_412, %get3A_413] {strides = array<i32>} : memref<576x128xf32, #tpu.memory_space<vmem>>, vector<1x16xf32>,
        %get3A_415 = vector.shape_cast %get3A_414 : vector<1x16xf32> to vector<16xf32>
        %add3A_416 = arith.addf %add3A_409, %get3A_415 : vector<16xf32>
        %add3A_417 = arith.constant 5 : i32
        %add3A_418 = arith.addi %mul3A_61, %add3A_417 : i32
        %get3A_419 = arith.index_cast %add3A_418 : i32 to index
        %get3A_420 = arith.constant 80 : index
        %get3A_421 = tpu.vector_load %arg6[%get3A_419, %get3A_420] {strides = array<i32>} : memref<576x128xf32, #tpu.memory_space<vmem>>, vector<1x16xf32>,
        %get3A_422 = vector.shape_cast %get3A_421 : vector<1x16xf32> to vector<16xf32>
        %add3A_423 = arith.addf %add3A_416, %get3A_422 : vector<16xf32>
        %add3A_424 = arith.constant 6 : i32
        %add3A_425 = arith.addi %mul3A_61, %add3A_424 : i32
        %get3A_426 = arith.index_cast %add3A_425 : i32 to index
        %get3A_427 = arith.constant 80 : index
        %get3A_428 = tpu.vector_load %arg6[%get3A_426, %get3A_427] {strides = array<i32>} : memref<576x128xf32, #tpu.memory_space<vmem>>, vector<1x16xf32>,
        %get3A_429 = vector.shape_cast %get3A_428 : vector<1x16xf32> to vector<16xf32>
        %add3A_430 = arith.addf %add3A_423, %get3A_429 : vector<16xf32>
        %add3A_431 = arith.constant 7 : i32
        %add3A_432 = arith.addi %mul3A_61, %add3A_431 : i32
        %get3A_433 = arith.index_cast %add3A_432 : i32 to index
        %get3A_434 = arith.constant 80 : index
        %get3A_435 = tpu.vector_load %arg6[%get3A_433, %get3A_434] {strides = array<i32>} : memref<576x128xf32, #tpu.memory_space<vmem>>, vector<1x16xf32>,
        %get3A_436 = vector.shape_cast %get3A_435 : vector<1x16xf32> to vector<16xf32>
        %add3A_437 = arith.addf %add3A_430, %get3A_436 : vector<16xf32>
        %add3A_438 = arith.constant 8 : i32
        %add3A_439 = arith.addi %mul3A_61, %add3A_438 : i32
        %get3A_440 = arith.index_cast %add3A_439 : i32 to index
        %get3A_441 = arith.constant 80 : index
        %get3A_442 = tpu.vector_load %arg6[%get3A_440, %get3A_441] {strides = array<i32>} : memref<576x128xf32, #tpu.memory_space<vmem>>, vector<1x16xf32>,
        %get3A_443 = vector.shape_cast %get3A_442 : vector<1x16xf32> to vector<16xf32>
        %add3A_444 = arith.addf %add3A_437, %get3A_443 : vector<16xf32>
        %swap3A_445 = arith.index_cast %scan3A_58 : i32 to index
        %swap3A_446 = arith.constant 80 : index
        %swap3A_447 = tpu.vector_load %arg7[%swap3A_445, %swap3A_446] {strides = array<i32>} : memref<64x128xf32, #tpu.memory_space<vmem>>, vector<1x16xf32>,
        %swap3A_448 = vector.shape_cast %swap3A_447 : vector<1x16xf32> to vector<16xf32>
        %swap3A_449 = vector.shape_cast %add3A_444 : vector<16xf32> to vector<1x16xf32>
        tpu.vector_store %arg7[%swap3A_445, %swap3A_446], %swap3A_449 {strides = array<i32>} : memref<64x128xf32, #tpu.memory_space<vmem>>, vector<1x16xf32>,
        %get3A_450 = arith.index_cast %mul3A_61 : i32 to index
        %get3A_451 = arith.constant 96 : index
        %get3A_452 = tpu.vector_load %arg6[%get3A_450, %get3A_451] {strides = array<i32>} : memref<576x128xf32, #tpu.memory_space<vmem>>, vector<1x16xf32>,
        %get3A_453 = vector.shape_cast %get3A_452 : vector<1x16xf32> to vector<16xf32>
        %add3A_454 = arith.constant 1 : i32
        %add3A_455 = arith.addi %mul3A_61, %add3A_454 : i32
        %get3A_456 = arith.index_cast %add3A_455 : i32 to index
        %get3A_457 = arith.constant 96 : index
        %get3A_458 = tpu.vector_load %arg6[%get3A_456, %get3A_457] {strides = array<i32>} : memref<576x128xf32, #tpu.memory_space<vmem>>, vector<1x16xf32>,
        %get3A_459 = vector.shape_cast %get3A_458 : vector<1x16xf32> to vector<16xf32>
        %add3A_460 = arith.addf %get3A_453, %get3A_459 : vector<16xf32>
        %add3A_461 = arith.constant 2 : i32
        %add3A_462 = arith.addi %mul3A_61, %add3A_461 : i32
        %get3A_463 = arith.index_cast %add3A_462 : i32 to index
        %get3A_464 = arith.constant 96 : index
        %get3A_465 = tpu.vector_load %arg6[%get3A_463, %get3A_464] {strides = array<i32>} : memref<576x128xf32, #tpu.memory_space<vmem>>, vector<1x16xf32>,
        %get3A_466 = vector.shape_cast %get3A_465 : vector<1x16xf32> to vector<16xf32>
        %add3A_467 = arith.addf %add3A_460, %get3A_466 : vector<16xf32>
        %add3A_468 = arith.constant 3 : i32
        %add3A_469 = arith.addi %mul3A_61, %add3A_468 : i32
        %get3A_470 = arith.index_cast %add3A_469 : i32 to index
        %get3A_471 = arith.constant 96 : index
        %get3A_472 = tpu.vector_load %arg6[%get3A_470, %get3A_471] {strides = array<i32>} : memref<576x128xf32, #tpu.memory_space<vmem>>, vector<1x16xf32>,
        %get3A_473 = vector.shape_cast %get3A_472 : vector<1x16xf32> to vector<16xf32>
        %add3A_474 = arith.addf %add3A_467, %get3A_473 : vector<16xf32>
        %add3A_475 = arith.constant 4 : i32
        %add3A_476 = arith.addi %mul3A_61, %add3A_475 : i32
        %get3A_477 = arith.index_cast %add3A_476 : i32 to index
        %get3A_478 = arith.constant 96 : index
        %get3A_479 = tpu.vector_load %arg6[%get3A_477, %get3A_478] {strides = array<i32>} : memref<576x128xf32, #tpu.memory_space<vmem>>, vector<1x16xf32>,
        %get3A_480 = vector.shape_cast %get3A_479 : vector<1x16xf32> to vector<16xf32>
        %add3A_481 = arith.addf %add3A_474, %get3A_480 : vector<16xf32>
        %add3A_482 = arith.constant 5 : i32
        %add3A_483 = arith.addi %mul3A_61, %add3A_482 : i32
        %get3A_484 = arith.index_cast %add3A_483 : i32 to index
        %get3A_485 = arith.constant 96 : index
        %get3A_486 = tpu.vector_load %arg6[%get3A_484, %get3A_485] {strides = array<i32>} : memref<576x128xf32, #tpu.memory_space<vmem>>, vector<1x16xf32>,
        %get3A_487 = vector.shape_cast %get3A_486 : vector<1x16xf32> to vector<16xf32>
        %add3A_488 = arith.addf %add3A_481, %get3A_487 : vector<16xf32>
        %add3A_489 = arith.constant 6 : i32
        %add3A_490 = arith.addi %mul3A_61, %add3A_489 : i32
        %get3A_491 = arith.index_cast %add3A_490 : i32 to index
        %get3A_492 = arith.constant 96 : index
        %get3A_493 = tpu.vector_load %arg6[%get3A_491, %get3A_492] {strides = array<i32>} : memref<576x128xf32, #tpu.memory_space<vmem>>, vector<1x16xf32>,
        %get3A_494 = vector.shape_cast %get3A_493 : vector<1x16xf32> to vector<16xf32>
        %add3A_495 = arith.addf %add3A_488, %get3A_494 : vector<16xf32>
        %add3A_496 = arith.constant 7 : i32
        %add3A_497 = arith.addi %mul3A_61, %add3A_496 : i32
        %get3A_498 = arith.index_cast %add3A_497 : i32 to index
        %get3A_499 = arith.constant 96 : index
        %get3A_500 = tpu.vector_load %arg6[%get3A_498, %get3A_499] {strides = array<i32>} : memref<576x128xf32, #tpu.memory_space<vmem>>, vector<1x16xf32>,
        %get3A_501 = vector.shape_cast %get3A_500 : vector<1x16xf32> to vector<16xf32>
        %add3A_502 = arith.addf %add3A_495, %get3A_501 : vector<16xf32>
        %add3A_503 = arith.constant 8 : i32
        %add3A_504 = arith.addi %mul3A_61, %add3A_503 : i32
        %get3A_505 = arith.index_cast %add3A_504 : i32 to index
        %get3A_506 = arith.constant 96 : index
        %get3A_507 = tpu.vector_load %arg6[%get3A_505, %get3A_506] {strides = array<i32>} : memref<576x128xf32, #tpu.memory_space<vmem>>, vector<1x16xf32>,
        %get3A_508 = vector.shape_cast %get3A_507 : vector<1x16xf32> to vector<16xf32>
        %add3A_509 = arith.addf %add3A_502, %get3A_508 : vector<16xf32>
        %swap3A_510 = arith.index_cast %scan3A_58 : i32 to index
        %swap3A_511 = arith.constant 96 : index
        %swap3A_512 = tpu.vector_load %arg7[%swap3A_510, %swap3A_511] {strides = array<i32>} : memref<64x128xf32, #tpu.memory_space<vmem>>, vector<1x16xf32>,
        %swap3A_513 = vector.shape_cast %swap3A_512 : vector<1x16xf32> to vector<16xf32>
        %swap3A_514 = vector.shape_cast %add3A_509 : vector<16xf32> to vector<1x16xf32>
        tpu.vector_store %arg7[%swap3A_510, %swap3A_511], %swap3A_514 {strides = array<i32>} : memref<64x128xf32, #tpu.memory_space<vmem>>, vector<1x16xf32>,
        %get3A_515 = arith.index_cast %mul3A_61 : i32 to index
        %get3A_516 = arith.constant 112 : index
        %get3A_517 = tpu.vector_load %arg6[%get3A_515, %get3A_516] {strides = array<i32>} : memref<576x128xf32, #tpu.memory_space<vmem>>, vector<1x16xf32>,
        %get3A_518 = vector.shape_cast %get3A_517 : vector<1x16xf32> to vector<16xf32>
        %add3A_519 = arith.constant 1 : i32
        %add3A_520 = arith.addi %mul3A_61, %add3A_519 : i32
        %get3A_521 = arith.index_cast %add3A_520 : i32 to index
        %get3A_522 = arith.constant 112 : index
        %get3A_523 = tpu.vector_load %arg6[%get3A_521, %get3A_522] {strides = array<i32>} : memref<576x128xf32, #tpu.memory_space<vmem>>, vector<1x16xf32>,
        %get3A_524 = vector.shape_cast %get3A_523 : vector<1x16xf32> to vector<16xf32>
        %add3A_525 = arith.addf %get3A_518, %get3A_524 : vector<16xf32>
        %add3A_526 = arith.constant 2 : i32
        %add3A_527 = arith.addi %mul3A_61, %add3A_526 : i32
        %get3A_528 = arith.index_cast %add3A_527 : i32 to index
        %get3A_529 = arith.constant 112 : index
        %get3A_530 = tpu.vector_load %arg6[%get3A_528, %get3A_529] {strides = array<i32>} : memref<576x128xf32, #tpu.memory_space<vmem>>, vector<1x16xf32>,
        %get3A_531 = vector.shape_cast %get3A_530 : vector<1x16xf32> to vector<16xf32>
        %add3A_532 = arith.addf %add3A_525, %get3A_531 : vector<16xf32>
        %add3A_533 = arith.constant 3 : i32
        %add3A_534 = arith.addi %mul3A_61, %add3A_533 : i32
        %get3A_535 = arith.index_cast %add3A_534 : i32 to index
        %get3A_536 = arith.constant 112 : index
        %get3A_537 = tpu.vector_load %arg6[%get3A_535, %get3A_536] {strides = array<i32>} : memref<576x128xf32, #tpu.memory_space<vmem>>, vector<1x16xf32>,
        %get3A_538 = vector.shape_cast %get3A_537 : vector<1x16xf32> to vector<16xf32>
        %add3A_539 = arith.addf %add3A_532, %get3A_538 : vector<16xf32>
        %add3A_540 = arith.constant 4 : i32
        %add3A_541 = arith.addi %mul3A_61, %add3A_540 : i32
        %get3A_542 = arith.index_cast %add3A_541 : i32 to index
        %get3A_543 = arith.constant 112 : index
        %get3A_544 = tpu.vector_load %arg6[%get3A_542, %get3A_543] {strides = array<i32>} : memref<576x128xf32, #tpu.memory_space<vmem>>, vector<1x16xf32>,
        %get3A_545 = vector.shape_cast %get3A_544 : vector<1x16xf32> to vector<16xf32>
        %add3A_546 = arith.addf %add3A_539, %get3A_545 : vector<16xf32>
        %add3A_547 = arith.constant 5 : i32
        %add3A_548 = arith.addi %mul3A_61, %add3A_547 : i32
        %get3A_549 = arith.index_cast %add3A_548 : i32 to index
        %get3A_550 = arith.constant 112 : index
        %get3A_551 = tpu.vector_load %arg6[%get3A_549, %get3A_550] {strides = array<i32>} : memref<576x128xf32, #tpu.memory_space<vmem>>, vector<1x16xf32>,
        %get3A_552 = vector.shape_cast %get3A_551 : vector<1x16xf32> to vector<16xf32>
        %add3A_553 = arith.addf %add3A_546, %get3A_552 : vector<16xf32>
        %add3A_554 = arith.constant 6 : i32
        %add3A_555 = arith.addi %mul3A_61, %add3A_554 : i32
        %get3A_556 = arith.index_cast %add3A_555 : i32 to index
        %get3A_557 = arith.constant 112 : index
        %get3A_558 = tpu.vector_load %arg6[%get3A_556, %get3A_557] {strides = array<i32>} : memref<576x128xf32, #tpu.memory_space<vmem>>, vector<1x16xf32>,
        %get3A_559 = vector.shape_cast %get3A_558 : vector<1x16xf32> to vector<16xf32>
        %add3A_560 = arith.addf %add3A_553, %get3A_559 : vector<16xf32>
        %add3A_561 = arith.constant 7 : i32
        %add3A_562 = arith.addi %mul3A_61, %add3A_561 : i32
        %get3A_563 = arith.index_cast %add3A_562 : i32 to index
        %get3A_564 = arith.constant 112 : index
        %get3A_565 = tpu.vector_load %arg6[%get3A_563, %get3A_564] {strides = array<i32>} : memref<576x128xf32, #tpu.memory_space<vmem>>, vector<1x16xf32>,
        %get3A_566 = vector.shape_cast %get3A_565 : vector<1x16xf32> to vector<16xf32>
        %add3A_567 = arith.addf %add3A_560, %get3A_566 : vector<16xf32>
        %add3A_568 = arith.constant 8 : i32
        %add3A_569 = arith.addi %mul3A_61, %add3A_568 : i32
        %get3A_570 = arith.index_cast %add3A_569 : i32 to index
        %get3A_571 = arith.constant 112 : index
        %get3A_572 = tpu.vector_load %arg6[%get3A_570, %get3A_571] {strides = array<i32>} : memref<576x128xf32, #tpu.memory_space<vmem>>, vector<1x16xf32>,
        %get3A_573 = vector.shape_cast %get3A_572 : vector<1x16xf32> to vector<16xf32>
        %add3A_574 = arith.addf %add3A_567, %get3A_573 : vector<16xf32>
        %swap3A_575 = arith.index_cast %scan3A_58 : i32 to index
        %swap3A_576 = arith.constant 112 : index
        %swap3A_577 = tpu.vector_load %arg7[%swap3A_575, %swap3A_576] {strides = array<i32>} : memref<64x128xf32, #tpu.memory_space<vmem>>, vector<1x16xf32>,
        %swap3A_578 = vector.shape_cast %swap3A_577 : vector<1x16xf32> to vector<16xf32>
        %swap3A_579 = vector.shape_cast %add3A_574 : vector<16xf32> to vector<1x16xf32>
        tpu.vector_store %arg7[%swap3A_575, %swap3A_576], %swap3A_579 {strides = array<i32>} : memref<64x128xf32, #tpu.memory_space<vmem>>, vector<1x16xf32>,
        %scan3A_580 = arith.constant 0 : i32
        scf.yield %scan3A_580 : i32
      }
      %scan3A_56 = arith.constant 64 : i32
      "tpu.region"() ({
        %run_scoped3A = tpu.sem_alloc : memref<!tpu.dma_semaphore, #tpu.memory_space<semaphore_mem>>
        %dma_start3A_58 = arith.constant 0 : i32
        %dma_start3A_59 = tpu.memref_slice %arg4[%min3A_44, %dma_start3A_58] : memref<100000x128xf32, #tpu.memory_space<hbm>> -> memref<64x128xf32, #tpu.memory_space<hbm>>
        %dma_start3A_60 = arith.constant 0 : i32
        %dma_start3A_61 = tpu.memref_slice %arg4[%min3A_44, %dma_start3A_60] : memref<100000x128xf32, #tpu.memory_space<hbm>> -> memref<64x128xf32, #tpu.memory_space<hbm>>
        tpu.enqueue_dma source(%arg7 : memref<64x128xf32, #tpu.memory_space<vmem>>) target(%dma_start3A_61 : memref<64x128xf32, #tpu.memory_space<hbm>>) target_semaphore(%run_scoped3A : memref<!tpu.dma_semaphore, #tpu.memory_space<semaphore_mem>>)
        %dma_wait3A_62 = arith.constant 0 : i32
        %dma_wait3A_63 = tpu.memref_slice %arg4[%min3A_44, %dma_wait3A_62] : memref<100000x128xf32, #tpu.memory_space<hbm>> -> memref<64x128xf32, #tpu.memory_space<hbm>>
        %dma_wait3A_64 = arith.constant 0 : i32
        %dma_wait3A_65 = tpu.memref_slice %arg4[%min3A_44, %dma_wait3A_64] : memref<100000x128xf32, #tpu.memory_space<hbm>> -> memref<64x128xf32, #tpu.memory_space<hbm>>
        tpu.wait_dma2 semaphore(%run_scoped3A : memref<!tpu.dma_semaphore, #tpu.memory_space<semaphore_mem>>) src(%arg7 : memref<64x128xf32, #tpu.memory_space<vmem>>) dst(%dma_wait3A_65 : memref<64x128xf32, #tpu.memory_space<hbm>>)
        tpu.yield
      }) : () -> ()
      %while3A_57 = arith.constant 0 : i32
      scf.yield %while3A_57 : i32
    }
    %while3A_36 = arith.constant 1 : i32
    %while3A_37 = scf.for %while3A_38 = %while3A_33 to %while3A_29 step %while3A_36 iter_args(%while3A_39 = %while3A_35) -> (i32)  : i32 {
      %mul3A_40 = arith.constant 64 : i32
      %mul3A_41 = arith.muli %while3A_38, %mul3A_40 : i32
      %add3A_42 = arith.addi %mul3A_2, %mul3A_41 : i32
      %min3A_43 = arith.constant 99936 : i32
      %min3A_44 = arith.minsi %add3A_42, %min3A_43 : i32
      %mul3A_45 = arith.constant 9 : i32
      %mul3A_46 = arith.muli %min3A_44, %mul3A_45 : i32
      "tpu.region"() ({
        %run_scoped3A = tpu.sem_alloc : memref<!tpu.dma_semaphore, #tpu.memory_space<semaphore_mem>>
        %dma_start3A_58 = tpu.memref_slice %arg3[%mul3A_46] : memref<900000xi32, #tpu.memory_space<hbm>> -> memref<576xi32, #tpu.memory_space<hbm>>
        %dma_start3A_59 = tpu.memref_slice %arg3[%mul3A_46] : memref<900000xi32, #tpu.memory_space<hbm>> -> memref<576xi32, #tpu.memory_space<hbm>>
        tpu.enqueue_dma source(%dma_start3A_59 : memref<576xi32, #tpu.memory_space<hbm>>) target(%arg5 : memref<576xi32, #tpu.memory_space<vmem>>) target_semaphore(%run_scoped3A : memref<!tpu.dma_semaphore, #tpu.memory_space<semaphore_mem>>)
        %dma_wait3A_60 = tpu.memref_slice %arg3[%mul3A_46] : memref<900000xi32, #tpu.memory_space<hbm>> -> memref<576xi32, #tpu.memory_space<hbm>>
        %dma_wait3A_61 = tpu.memref_slice %arg3[%mul3A_46] : memref<900000xi32, #tpu.memory_space<hbm>> -> memref<576xi32, #tpu.memory_space<hbm>>
        tpu.wait_dma2 semaphore(%run_scoped3A : memref<!tpu.dma_semaphore, #tpu.memory_space<semaphore_mem>>) src(%dma_wait3A_61 : memref<576xi32, #tpu.memory_space<hbm>>) dst(%arg5 : memref<576xi32, #tpu.memory_space<vmem>>)
        tpu.yield
      }) : () -> ()
      %dma_start3A = arith.constant 0 : i32
      %dma_start3A_47 = arith.constant 0 : i32
      %dma_start3A_48 = tpu.memref_slice %arg2[%dma_start3A, %dma_start3A_47] : memref<174x128xf32, #tpu.memory_space<hbm>> -> memref<174x128xf32, #tpu.memory_space<hbm>>
      tpu.enqueue_indirect_dma source(%dma_start3A_48 : memref<174x128xf32, #tpu.memory_space<hbm>>) target(%arg6 : memref<576x128xf32, #tpu.memory_space<vmem>>) offsets(%arg5 : memref<576xi32, #tpu.memory_space<vmem>>) semaphore(%arg8 : memref<!tpu.dma_semaphore, #tpu.memory_space<semaphore_mem>>)
      %dma_wait3A = arith.constant 0 : i32
      %dma_wait3A_49 = arith.constant 0 : i32
      %dma_wait3A_50 = tpu.memref_slice %arg2[%dma_wait3A, %dma_wait3A_49] : memref<174x128xf32, #tpu.memory_space<hbm>> -> memref<174x128xf32, #tpu.memory_space<hbm>>
      tpu.wait_indirect_dma semaphore(%arg8 : memref<!tpu.dma_semaphore, #tpu.memory_space<semaphore_mem>>) src(%dma_wait3A_50 : memref<174x128xf32, #tpu.memory_space<hbm>>) dst(%arg6 : memref<576x128xf32, #tpu.memory_space<vmem>>)
      %scan3A = arith.constant 0 : i32
      %scan3A_51 = arith.constant 0 : i32
      %scan3A_52 = arith.constant 64 : i32
      %scan3A_53 = arith.addi %scan3A_51, %scan3A_52 : i32
      %scan3A_54 = arith.constant 1 : i32
      %scan3A_55 = scf.for %scan3A_58 = %scan3A_51 to %scan3A_53 step %scan3A_54 iter_args(%scan3A_59 = %scan3A) -> (i32)  : i32 {
        %mul3A_60 = arith.constant 9 : i32
        %mul3A_61 = arith.muli %scan3A_58, %mul3A_60 : i32
        %get3A = arith.index_cast %mul3A_61 : i32 to index
        %get3A_62 = arith.constant 0 : index
        %get3A_63 = tpu.vector_load %arg6[%get3A, %get3A_62] {strides = array<i32>} : memref<576x128xf32, #tpu.memory_space<vmem>>, vector<1x16xf32>,
        %get3A_64 = vector.shape_cast %get3A_63 : vector<1x16xf32> to vector<16xf32>
        %add3A_65 = arith.constant 1 : i32
        %add3A_66 = arith.addi %mul3A_61, %add3A_65 : i32
        %get3A_67 = arith.index_cast %add3A_66 : i32 to index
        %get3A_68 = arith.constant 0 : index
        %get3A_69 = tpu.vector_load %arg6[%get3A_67, %get3A_68] {strides = array<i32>} : memref<576x128xf32, #tpu.memory_space<vmem>>, vector<1x16xf32>,
        %get3A_70 = vector.shape_cast %get3A_69 : vector<1x16xf32> to vector<16xf32>
        %add3A_71 = arith.addf %get3A_64, %get3A_70 : vector<16xf32>
        %add3A_72 = arith.constant 2 : i32
        %add3A_73 = arith.addi %mul3A_61, %add3A_72 : i32
        %get3A_74 = arith.index_cast %add3A_73 : i32 to index
        %get3A_75 = arith.constant 0 : index
        %get3A_76 = tpu.vector_load %arg6[%get3A_74, %get3A_75] {strides = array<i32>} : memref<576x128xf32, #tpu.memory_space<vmem>>, vector<1x16xf32>,
        %get3A_77 = vector.shape_cast %get3A_76 : vector<1x16xf32> to vector<16xf32>
        %add3A_78 = arith.addf %add3A_71, %get3A_77 : vector<16xf32>
        %add3A_79 = arith.constant 3 : i32
        %add3A_80 = arith.addi %mul3A_61, %add3A_79 : i32
        %get3A_81 = arith.index_cast %add3A_80 : i32 to index
        %get3A_82 = arith.constant 0 : index
        %get3A_83 = tpu.vector_load %arg6[%get3A_81, %get3A_82] {strides = array<i32>} : memref<576x128xf32, #tpu.memory_space<vmem>>, vector<1x16xf32>,
        %get3A_84 = vector.shape_cast %get3A_83 : vector<1x16xf32> to vector<16xf32>
        %add3A_85 = arith.addf %add3A_78, %get3A_84 : vector<16xf32>
        %add3A_86 = arith.constant 4 : i32
        %add3A_87 = arith.addi %mul3A_61, %add3A_86 : i32
        %get3A_88 = arith.index_cast %add3A_87 : i32 to index
        %get3A_89 = arith.constant 0 : index
        %get3A_90 = tpu.vector_load %arg6[%get3A_88, %get3A_89] {strides = array<i32>} : memref<576x128xf32, #tpu.memory_space<vmem>>, vector<1x16xf32>,
        %get3A_91 = vector.shape_cast %get3A_90 : vector<1x16xf32> to vector<16xf32>
        %add3A_92 = arith.addf %add3A_85, %get3A_91 : vector<16xf32>
        %add3A_93 = arith.constant 5 : i32
        %add3A_94 = arith.addi %mul3A_61, %add3A_93 : i32
        %get3A_95 = arith.index_cast %add3A_94 : i32 to index
        %get3A_96 = arith.constant 0 : index
        %get3A_97 = tpu.vector_load %arg6[%get3A_95, %get3A_96] {strides = array<i32>} : memref<576x128xf32, #tpu.memory_space<vmem>>, vector<1x16xf32>,
        %get3A_98 = vector.shape_cast %get3A_97 : vector<1x16xf32> to vector<16xf32>
        %add3A_99 = arith.addf %add3A_92, %get3A_98 : vector<16xf32>
        %add3A_100 = arith.constant 6 : i32
        %add3A_101 = arith.addi %mul3A_61, %add3A_100 : i32
        %get3A_102 = arith.index_cast %add3A_101 : i32 to index
        %get3A_103 = arith.constant 0 : index
        %get3A_104 = tpu.vector_load %arg6[%get3A_102, %get3A_103] {strides = array<i32>} : memref<576x128xf32, #tpu.memory_space<vmem>>, vector<1x16xf32>,
        %get3A_105 = vector.shape_cast %get3A_104 : vector<1x16xf32> to vector<16xf32>
        %add3A_106 = arith.addf %add3A_99, %get3A_105 : vector<16xf32>
        %add3A_107 = arith.constant 7 : i32
        %add3A_108 = arith.addi %mul3A_61, %add3A_107 : i32
        %get3A_109 = arith.index_cast %add3A_108 : i32 to index
        %get3A_110 = arith.constant 0 : index
        %get3A_111 = tpu.vector_load %arg6[%get3A_109, %get3A_110] {strides = array<i32>} : memref<576x128xf32, #tpu.memory_space<vmem>>, vector<1x16xf32>,
        %get3A_112 = vector.shape_cast %get3A_111 : vector<1x16xf32> to vector<16xf32>
        %add3A_113 = arith.addf %add3A_106, %get3A_112 : vector<16xf32>
        %add3A_114 = arith.constant 8 : i32
        %add3A_115 = arith.addi %mul3A_61, %add3A_114 : i32
        %get3A_116 = arith.index_cast %add3A_115 : i32 to index
        %get3A_117 = arith.constant 0 : index
        %get3A_118 = tpu.vector_load %arg6[%get3A_116, %get3A_117] {strides = array<i32>} : memref<576x128xf32, #tpu.memory_space<vmem>>, vector<1x16xf32>,
        %get3A_119 = vector.shape_cast %get3A_118 : vector<1x16xf32> to vector<16xf32>
        %add3A_120 = arith.addf %add3A_113, %get3A_119 : vector<16xf32>
        %swap3A = arith.index_cast %scan3A_58 : i32 to index
        %swap3A_121 = arith.constant 0 : index
        %swap3A_122 = tpu.vector_load %arg7[%swap3A, %swap3A_121] {strides = array<i32>} : memref<64x128xf32, #tpu.memory_space<vmem>>, vector<1x16xf32>,
        %swap3A_123 = vector.shape_cast %swap3A_122 : vector<1x16xf32> to vector<16xf32>
        %swap3A_124 = vector.shape_cast %add3A_120 : vector<16xf32> to vector<1x16xf32>
        tpu.vector_store %arg7[%swap3A, %swap3A_121], %swap3A_124 {strides = array<i32>} : memref<64x128xf32, #tpu.memory_space<vmem>>, vector<1x16xf32>,
        %get3A_125 = arith.index_cast %mul3A_61 : i32 to index
        %get3A_126 = arith.constant 16 : index
        %get3A_127 = tpu.vector_load %arg6[%get3A_125, %get3A_126] {strides = array<i32>} : memref<576x128xf32, #tpu.memory_space<vmem>>, vector<1x16xf32>,
        %get3A_128 = vector.shape_cast %get3A_127 : vector<1x16xf32> to vector<16xf32>
        %add3A_129 = arith.constant 1 : i32
        %add3A_130 = arith.addi %mul3A_61, %add3A_129 : i32
        %get3A_131 = arith.index_cast %add3A_130 : i32 to index
        %get3A_132 = arith.constant 16 : index
        %get3A_133 = tpu.vector_load %arg6[%get3A_131, %get3A_132] {strides = array<i32>} : memref<576x128xf32, #tpu.memory_space<vmem>>, vector<1x16xf32>,
        %get3A_134 = vector.shape_cast %get3A_133 : vector<1x16xf32> to vector<16xf32>
        %add3A_135 = arith.addf %get3A_128, %get3A_134 : vector<16xf32>
        %add3A_136 = arith.constant 2 : i32
        %add3A_137 = arith.addi %mul3A_61, %add3A_136 : i32
        %get3A_138 = arith.index_cast %add3A_137 : i32 to index
        %get3A_139 = arith.constant 16 : index
        %get3A_140 = tpu.vector_load %arg6[%get3A_138, %get3A_139] {strides = array<i32>} : memref<576x128xf32, #tpu.memory_space<vmem>>, vector<1x16xf32>,
        %get3A_141 = vector.shape_cast %get3A_140 : vector<1x16xf32> to vector<16xf32>
        %add3A_142 = arith.addf %add3A_135, %get3A_141 : vector<16xf32>
        %add3A_143 = arith.constant 3 : i32
        %add3A_144 = arith.addi %mul3A_61, %add3A_143 : i32
        %get3A_145 = arith.index_cast %add3A_144 : i32 to index
        %get3A_146 = arith.constant 16 : index
        %get3A_147 = tpu.vector_load %arg6[%get3A_145, %get3A_146] {strides = array<i32>} : memref<576x128xf32, #tpu.memory_space<vmem>>, vector<1x16xf32>,
        %get3A_148 = vector.shape_cast %get3A_147 : vector<1x16xf32> to vector<16xf32>
        %add3A_149 = arith.addf %add3A_142, %get3A_148 : vector<16xf32>
        %add3A_150 = arith.constant 4 : i32
        %add3A_151 = arith.addi %mul3A_61, %add3A_150 : i32
        %get3A_152 = arith.index_cast %add3A_151 : i32 to index
        %get3A_153 = arith.constant 16 : index
        %get3A_154 = tpu.vector_load %arg6[%get3A_152, %get3A_153] {strides = array<i32>} : memref<576x128xf32, #tpu.memory_space<vmem>>, vector<1x16xf32>,
        %get3A_155 = vector.shape_cast %get3A_154 : vector<1x16xf32> to vector<16xf32>
        %add3A_156 = arith.addf %add3A_149, %get3A_155 : vector<16xf32>
        %add3A_157 = arith.constant 5 : i32
        %add3A_158 = arith.addi %mul3A_61, %add3A_157 : i32
        %get3A_159 = arith.index_cast %add3A_158 : i32 to index
        %get3A_160 = arith.constant 16 : index
        %get3A_161 = tpu.vector_load %arg6[%get3A_159, %get3A_160] {strides = array<i32>} : memref<576x128xf32, #tpu.memory_space<vmem>>, vector<1x16xf32>,
        %get3A_162 = vector.shape_cast %get3A_161 : vector<1x16xf32> to vector<16xf32>
        %add3A_163 = arith.addf %add3A_156, %get3A_162 : vector<16xf32>
        %add3A_164 = arith.constant 6 : i32
        %add3A_165 = arith.addi %mul3A_61, %add3A_164 : i32
        %get3A_166 = arith.index_cast %add3A_165 : i32 to index
        %get3A_167 = arith.constant 16 : index
        %get3A_168 = tpu.vector_load %arg6[%get3A_166, %get3A_167] {strides = array<i32>} : memref<576x128xf32, #tpu.memory_space<vmem>>, vector<1x16xf32>,
        %get3A_169 = vector.shape_cast %get3A_168 : vector<1x16xf32> to vector<16xf32>
        %add3A_170 = arith.addf %add3A_163, %get3A_169 : vector<16xf32>
        %add3A_171 = arith.constant 7 : i32
        %add3A_172 = arith.addi %mul3A_61, %add3A_171 : i32
        %get3A_173 = arith.index_cast %add3A_172 : i32 to index
        %get3A_174 = arith.constant 16 : index
        %get3A_175 = tpu.vector_load %arg6[%get3A_173, %get3A_174] {strides = array<i32>} : memref<576x128xf32, #tpu.memory_space<vmem>>, vector<1x16xf32>,
        %get3A_176 = vector.shape_cast %get3A_175 : vector<1x16xf32> to vector<16xf32>
        %add3A_177 = arith.addf %add3A_170, %get3A_176 : vector<16xf32>
        %add3A_178 = arith.constant 8 : i32
        %add3A_179 = arith.addi %mul3A_61, %add3A_178 : i32
        %get3A_180 = arith.index_cast %add3A_179 : i32 to index
        %get3A_181 = arith.constant 16 : index
        %get3A_182 = tpu.vector_load %arg6[%get3A_180, %get3A_181] {strides = array<i32>} : memref<576x128xf32, #tpu.memory_space<vmem>>, vector<1x16xf32>,
        %get3A_183 = vector.shape_cast %get3A_182 : vector<1x16xf32> to vector<16xf32>
        %add3A_184 = arith.addf %add3A_177, %get3A_183 : vector<16xf32>
        %swap3A_185 = arith.index_cast %scan3A_58 : i32 to index
        %swap3A_186 = arith.constant 16 : index
        %swap3A_187 = tpu.vector_load %arg7[%swap3A_185, %swap3A_186] {strides = array<i32>} : memref<64x128xf32, #tpu.memory_space<vmem>>, vector<1x16xf32>,
        %swap3A_188 = vector.shape_cast %swap3A_187 : vector<1x16xf32> to vector<16xf32>
        %swap3A_189 = vector.shape_cast %add3A_184 : vector<16xf32> to vector<1x16xf32>
        tpu.vector_store %arg7[%swap3A_185, %swap3A_186], %swap3A_189 {strides = array<i32>} : memref<64x128xf32, #tpu.memory_space<vmem>>, vector<1x16xf32>,
        %get3A_190 = arith.index_cast %mul3A_61 : i32 to index
        %get3A_191 = arith.constant 32 : index
        %get3A_192 = tpu.vector_load %arg6[%get3A_190, %get3A_191] {strides = array<i32>} : memref<576x128xf32, #tpu.memory_space<vmem>>, vector<1x16xf32>,
        %get3A_193 = vector.shape_cast %get3A_192 : vector<1x16xf32> to vector<16xf32>
        %add3A_194 = arith.constant 1 : i32
        %add3A_195 = arith.addi %mul3A_61, %add3A_194 : i32
        %get3A_196 = arith.index_cast %add3A_195 : i32 to index
        %get3A_197 = arith.constant 32 : index
        %get3A_198 = tpu.vector_load %arg6[%get3A_196, %get3A_197] {strides = array<i32>} : memref<576x128xf32, #tpu.memory_space<vmem>>, vector<1x16xf32>,
        %get3A_199 = vector.shape_cast %get3A_198 : vector<1x16xf32> to vector<16xf32>
        %add3A_200 = arith.addf %get3A_193, %get3A_199 : vector<16xf32>
        %add3A_201 = arith.constant 2 : i32
        %add3A_202 = arith.addi %mul3A_61, %add3A_201 : i32
        %get3A_203 = arith.index_cast %add3A_202 : i32 to index
        %get3A_204 = arith.constant 32 : index
        %get3A_205 = tpu.vector_load %arg6[%get3A_203, %get3A_204] {strides = array<i32>} : memref<576x128xf32, #tpu.memory_space<vmem>>, vector<1x16xf32>,
        %get3A_206 = vector.shape_cast %get3A_205 : vector<1x16xf32> to vector<16xf32>
        %add3A_207 = arith.addf %add3A_200, %get3A_206 : vector<16xf32>
        %add3A_208 = arith.constant 3 : i32
        %add3A_209 = arith.addi %mul3A_61, %add3A_208 : i32
        %get3A_210 = arith.index_cast %add3A_209 : i32 to index
        %get3A_211 = arith.constant 32 : index
        %get3A_212 = tpu.vector_load %arg6[%get3A_210, %get3A_211] {strides = array<i32>} : memref<576x128xf32, #tpu.memory_space<vmem>>, vector<1x16xf32>,
        %get3A_213 = vector.shape_cast %get3A_212 : vector<1x16xf32> to vector<16xf32>
        %add3A_214 = arith.addf %add3A_207, %get3A_213 : vector<16xf32>
        %add3A_215 = arith.constant 4 : i32
        %add3A_216 = arith.addi %mul3A_61, %add3A_215 : i32
        %get3A_217 = arith.index_cast %add3A_216 : i32 to index
        %get3A_218 = arith.constant 32 : index
        %get3A_219 = tpu.vector_load %arg6[%get3A_217, %get3A_218] {strides = array<i32>} : memref<576x128xf32, #tpu.memory_space<vmem>>, vector<1x16xf32>,
        %get3A_220 = vector.shape_cast %get3A_219 : vector<1x16xf32> to vector<16xf32>
        %add3A_221 = arith.addf %add3A_214, %get3A_220 : vector<16xf32>
        %add3A_222 = arith.constant 5 : i32
        %add3A_223 = arith.addi %mul3A_61, %add3A_222 : i32
        %get3A_224 = arith.index_cast %add3A_223 : i32 to index
        %get3A_225 = arith.constant 32 : index
        %get3A_226 = tpu.vector_load %arg6[%get3A_224, %get3A_225] {strides = array<i32>} : memref<576x128xf32, #tpu.memory_space<vmem>>, vector<1x16xf32>,
        %get3A_227 = vector.shape_cast %get3A_226 : vector<1x16xf32> to vector<16xf32>
        %add3A_228 = arith.addf %add3A_221, %get3A_227 : vector<16xf32>
        %add3A_229 = arith.constant 6 : i32
        %add3A_230 = arith.addi %mul3A_61, %add3A_229 : i32
        %get3A_231 = arith.index_cast %add3A_230 : i32 to index
        %get3A_232 = arith.constant 32 : index
        %get3A_233 = tpu.vector_load %arg6[%get3A_231, %get3A_232] {strides = array<i32>} : memref<576x128xf32, #tpu.memory_space<vmem>>, vector<1x16xf32>,
        %get3A_234 = vector.shape_cast %get3A_233 : vector<1x16xf32> to vector<16xf32>
        %add3A_235 = arith.addf %add3A_228, %get3A_234 : vector<16xf32>
        %add3A_236 = arith.constant 7 : i32
        %add3A_237 = arith.addi %mul3A_61, %add3A_236 : i32
        %get3A_238 = arith.index_cast %add3A_237 : i32 to index
        %get3A_239 = arith.constant 32 : index
        %get3A_240 = tpu.vector_load %arg6[%get3A_238, %get3A_239] {strides = array<i32>} : memref<576x128xf32, #tpu.memory_space<vmem>>, vector<1x16xf32>,
        %get3A_241 = vector.shape_cast %get3A_240 : vector<1x16xf32> to vector<16xf32>
        %add3A_242 = arith.addf %add3A_235, %get3A_241 : vector<16xf32>
        %add3A_243 = arith.constant 8 : i32
        %add3A_244 = arith.addi %mul3A_61, %add3A_243 : i32
        %get3A_245 = arith.index_cast %add3A_244 : i32 to index
        %get3A_246 = arith.constant 32 : index
        %get3A_247 = tpu.vector_load %arg6[%get3A_245, %get3A_246] {strides = array<i32>} : memref<576x128xf32, #tpu.memory_space<vmem>>, vector<1x16xf32>,
        %get3A_248 = vector.shape_cast %get3A_247 : vector<1x16xf32> to vector<16xf32>
        %add3A_249 = arith.addf %add3A_242, %get3A_248 : vector<16xf32>
        %swap3A_250 = arith.index_cast %scan3A_58 : i32 to index
        %swap3A_251 = arith.constant 32 : index
        %swap3A_252 = tpu.vector_load %arg7[%swap3A_250, %swap3A_251] {strides = array<i32>} : memref<64x128xf32, #tpu.memory_space<vmem>>, vector<1x16xf32>,
        %swap3A_253 = vector.shape_cast %swap3A_252 : vector<1x16xf32> to vector<16xf32>
        %swap3A_254 = vector.shape_cast %add3A_249 : vector<16xf32> to vector<1x16xf32>
        tpu.vector_store %arg7[%swap3A_250, %swap3A_251], %swap3A_254 {strides = array<i32>} : memref<64x128xf32, #tpu.memory_space<vmem>>, vector<1x16xf32>,
        %get3A_255 = arith.index_cast %mul3A_61 : i32 to index
        %get3A_256 = arith.constant 48 : index
        %get3A_257 = tpu.vector_load %arg6[%get3A_255, %get3A_256] {strides = array<i32>} : memref<576x128xf32, #tpu.memory_space<vmem>>, vector<1x16xf32>,
        %get3A_258 = vector.shape_cast %get3A_257 : vector<1x16xf32> to vector<16xf32>
        %add3A_259 = arith.constant 1 : i32
        %add3A_260 = arith.addi %mul3A_61, %add3A_259 : i32
        %get3A_261 = arith.index_cast %add3A_260 : i32 to index
        %get3A_262 = arith.constant 48 : index
        %get3A_263 = tpu.vector_load %arg6[%get3A_261, %get3A_262] {strides = array<i32>} : memref<576x128xf32, #tpu.memory_space<vmem>>, vector<1x16xf32>,
        %get3A_264 = vector.shape_cast %get3A_263 : vector<1x16xf32> to vector<16xf32>
        %add3A_265 = arith.addf %get3A_258, %get3A_264 : vector<16xf32>
        %add3A_266 = arith.constant 2 : i32
        %add3A_267 = arith.addi %mul3A_61, %add3A_266 : i32
        %get3A_268 = arith.index_cast %add3A_267 : i32 to index
        %get3A_269 = arith.constant 48 : index
        %get3A_270 = tpu.vector_load %arg6[%get3A_268, %get3A_269] {strides = array<i32>} : memref<576x128xf32, #tpu.memory_space<vmem>>, vector<1x16xf32>,
        %get3A_271 = vector.shape_cast %get3A_270 : vector<1x16xf32> to vector<16xf32>
        %add3A_272 = arith.addf %add3A_265, %get3A_271 : vector<16xf32>
        %add3A_273 = arith.constant 3 : i32
        %add3A_274 = arith.addi %mul3A_61, %add3A_273 : i32
        %get3A_275 = arith.index_cast %add3A_274 : i32 to index
        %get3A_276 = arith.constant 48 : index
        %get3A_277 = tpu.vector_load %arg6[%get3A_275, %get3A_276] {strides = array<i32>} : memref<576x128xf32, #tpu.memory_space<vmem>>, vector<1x16xf32>,
        %get3A_278 = vector.shape_cast %get3A_277 : vector<1x16xf32> to vector<16xf32>
        %add3A_279 = arith.addf %add3A_272, %get3A_278 : vector<16xf32>
        %add3A_280 = arith.constant 4 : i32
        %add3A_281 = arith.addi %mul3A_61, %add3A_280 : i32
        %get3A_282 = arith.index_cast %add3A_281 : i32 to index
        %get3A_283 = arith.constant 48 : index
        %get3A_284 = tpu.vector_load %arg6[%get3A_282, %get3A_283] {strides = array<i32>} : memref<576x128xf32, #tpu.memory_space<vmem>>, vector<1x16xf32>,
        %get3A_285 = vector.shape_cast %get3A_284 : vector<1x16xf32> to vector<16xf32>
        %add3A_286 = arith.addf %add3A_279, %get3A_285 : vector<16xf32>
        %add3A_287 = arith.constant 5 : i32
        %add3A_288 = arith.addi %mul3A_61, %add3A_287 : i32
        %get3A_289 = arith.index_cast %add3A_288 : i32 to index
        %get3A_290 = arith.constant 48 : index
        %get3A_291 = tpu.vector_load %arg6[%get3A_289, %get3A_290] {strides = array<i32>} : memref<576x128xf32, #tpu.memory_space<vmem>>, vector<1x16xf32>,
        %get3A_292 = vector.shape_cast %get3A_291 : vector<1x16xf32> to vector<16xf32>
        %add3A_293 = arith.addf %add3A_286, %get3A_292 : vector<16xf32>
        %add3A_294 = arith.constant 6 : i32
        %add3A_295 = arith.addi %mul3A_61, %add3A_294 : i32
        %get3A_296 = arith.index_cast %add3A_295 : i32 to index
        %get3A_297 = arith.constant 48 : index
        %get3A_298 = tpu.vector_load %arg6[%get3A_296, %get3A_297] {strides = array<i32>} : memref<576x128xf32, #tpu.memory_space<vmem>>, vector<1x16xf32>,
        %get3A_299 = vector.shape_cast %get3A_298 : vector<1x16xf32> to vector<16xf32>
        %add3A_300 = arith.addf %add3A_293, %get3A_299 : vector<16xf32>
        %add3A_301 = arith.constant 7 : i32
        %add3A_302 = arith.addi %mul3A_61, %add3A_301 : i32
        %get3A_303 = arith.index_cast %add3A_302 : i32 to index
        %get3A_304 = arith.constant 48 : index
        %get3A_305 = tpu.vector_load %arg6[%get3A_303, %get3A_304] {strides = array<i32>} : memref<576x128xf32, #tpu.memory_space<vmem>>, vector<1x16xf32>,
        %get3A_306 = vector.shape_cast %get3A_305 : vector<1x16xf32> to vector<16xf32>
        %add3A_307 = arith.addf %add3A_300, %get3A_306 : vector<16xf32>
        %add3A_308 = arith.constant 8 : i32
        %add3A_309 = arith.addi %mul3A_61, %add3A_308 : i32
        %get3A_310 = arith.index_cast %add3A_309 : i32 to index
        %get3A_311 = arith.constant 48 : index
        %get3A_312 = tpu.vector_load %arg6[%get3A_310, %get3A_311] {strides = array<i32>} : memref<576x128xf32, #tpu.memory_space<vmem>>, vector<1x16xf32>,
        %get3A_313 = vector.shape_cast %get3A_312 : vector<1x16xf32> to vector<16xf32>
        %add3A_314 = arith.addf %add3A_307, %get3A_313 : vector<16xf32>
        %swap3A_315 = arith.index_cast %scan3A_58 : i32 to index
        %swap3A_316 = arith.constant 48 : index
        %swap3A_317 = tpu.vector_load %arg7[%swap3A_315, %swap3A_316] {strides = array<i32>} : memref<64x128xf32, #tpu.memory_space<vmem>>, vector<1x16xf32>,
        %swap3A_318 = vector.shape_cast %swap3A_317 : vector<1x16xf32> to vector<16xf32>
        %swap3A_319 = vector.shape_cast %add3A_314 : vector<16xf32> to vector<1x16xf32>
        tpu.vector_store %arg7[%swap3A_315, %swap3A_316], %swap3A_319 {strides = array<i32>} : memref<64x128xf32, #tpu.memory_space<vmem>>, vector<1x16xf32>,
        %get3A_320 = arith.index_cast %mul3A_61 : i32 to index
        %get3A_321 = arith.constant 64 : index
        %get3A_322 = tpu.vector_load %arg6[%get3A_320, %get3A_321] {strides = array<i32>} : memref<576x128xf32, #tpu.memory_space<vmem>>, vector<1x16xf32>,
        %get3A_323 = vector.shape_cast %get3A_322 : vector<1x16xf32> to vector<16xf32>
        %add3A_324 = arith.constant 1 : i32
        %add3A_325 = arith.addi %mul3A_61, %add3A_324 : i32
        %get3A_326 = arith.index_cast %add3A_325 : i32 to index
        %get3A_327 = arith.constant 64 : index
        %get3A_328 = tpu.vector_load %arg6[%get3A_326, %get3A_327] {strides = array<i32>} : memref<576x128xf32, #tpu.memory_space<vmem>>, vector<1x16xf32>,
        %get3A_329 = vector.shape_cast %get3A_328 : vector<1x16xf32> to vector<16xf32>
        %add3A_330 = arith.addf %get3A_323, %get3A_329 : vector<16xf32>
        %add3A_331 = arith.constant 2 : i32
        %add3A_332 = arith.addi %mul3A_61, %add3A_331 : i32
        %get3A_333 = arith.index_cast %add3A_332 : i32 to index
        %get3A_334 = arith.constant 64 : index
        %get3A_335 = tpu.vector_load %arg6[%get3A_333, %get3A_334] {strides = array<i32>} : memref<576x128xf32, #tpu.memory_space<vmem>>, vector<1x16xf32>,
        %get3A_336 = vector.shape_cast %get3A_335 : vector<1x16xf32> to vector<16xf32>
        %add3A_337 = arith.addf %add3A_330, %get3A_336 : vector<16xf32>
        %add3A_338 = arith.constant 3 : i32
        %add3A_339 = arith.addi %mul3A_61, %add3A_338 : i32
        %get3A_340 = arith.index_cast %add3A_339 : i32 to index
        %get3A_341 = arith.constant 64 : index
        %get3A_342 = tpu.vector_load %arg6[%get3A_340, %get3A_341] {strides = array<i32>} : memref<576x128xf32, #tpu.memory_space<vmem>>, vector<1x16xf32>,
        %get3A_343 = vector.shape_cast %get3A_342 : vector<1x16xf32> to vector<16xf32>
        %add3A_344 = arith.addf %add3A_337, %get3A_343 : vector<16xf32>
        %add3A_345 = arith.constant 4 : i32
        %add3A_346 = arith.addi %mul3A_61, %add3A_345 : i32
        %get3A_347 = arith.index_cast %add3A_346 : i32 to index
        %get3A_348 = arith.constant 64 : index
        %get3A_349 = tpu.vector_load %arg6[%get3A_347, %get3A_348] {strides = array<i32>} : memref<576x128xf32, #tpu.memory_space<vmem>>, vector<1x16xf32>,
        %get3A_350 = vector.shape_cast %get3A_349 : vector<1x16xf32> to vector<16xf32>
        %add3A_351 = arith.addf %add3A_344, %get3A_350 : vector<16xf32>
        %add3A_352 = arith.constant 5 : i32
        %add3A_353 = arith.addi %mul3A_61, %add3A_352 : i32
        %get3A_354 = arith.index_cast %add3A_353 : i32 to index
        %get3A_355 = arith.constant 64 : index
        %get3A_356 = tpu.vector_load %arg6[%get3A_354, %get3A_355] {strides = array<i32>} : memref<576x128xf32, #tpu.memory_space<vmem>>, vector<1x16xf32>,
        %get3A_357 = vector.shape_cast %get3A_356 : vector<1x16xf32> to vector<16xf32>
        %add3A_358 = arith.addf %add3A_351, %get3A_357 : vector<16xf32>
        %add3A_359 = arith.constant 6 : i32
        %add3A_360 = arith.addi %mul3A_61, %add3A_359 : i32
        %get3A_361 = arith.index_cast %add3A_360 : i32 to index
        %get3A_362 = arith.constant 64 : index
        %get3A_363 = tpu.vector_load %arg6[%get3A_361, %get3A_362] {strides = array<i32>} : memref<576x128xf32, #tpu.memory_space<vmem>>, vector<1x16xf32>,
        %get3A_364 = vector.shape_cast %get3A_363 : vector<1x16xf32> to vector<16xf32>
        %add3A_365 = arith.addf %add3A_358, %get3A_364 : vector<16xf32>
        %add3A_366 = arith.constant 7 : i32
        %add3A_367 = arith.addi %mul3A_61, %add3A_366 : i32
        %get3A_368 = arith.index_cast %add3A_367 : i32 to index
        %get3A_369 = arith.constant 64 : index
        %get3A_370 = tpu.vector_load %arg6[%get3A_368, %get3A_369] {strides = array<i32>} : memref<576x128xf32, #tpu.memory_space<vmem>>, vector<1x16xf32>,
        %get3A_371 = vector.shape_cast %get3A_370 : vector<1x16xf32> to vector<16xf32>
        %add3A_372 = arith.addf %add3A_365, %get3A_371 : vector<16xf32>
        %add3A_373 = arith.constant 8 : i32
        %add3A_374 = arith.addi %mul3A_61, %add3A_373 : i32
        %get3A_375 = arith.index_cast %add3A_374 : i32 to index
        %get3A_376 = arith.constant 64 : index
        %get3A_377 = tpu.vector_load %arg6[%get3A_375, %get3A_376] {strides = array<i32>} : memref<576x128xf32, #tpu.memory_space<vmem>>, vector<1x16xf32>,
        %get3A_378 = vector.shape_cast %get3A_377 : vector<1x16xf32> to vector<16xf32>
        %add3A_379 = arith.addf %add3A_372, %get3A_378 : vector<16xf32>
        %swap3A_380 = arith.index_cast %scan3A_58 : i32 to index
        %swap3A_381 = arith.constant 64 : index
        %swap3A_382 = tpu.vector_load %arg7[%swap3A_380, %swap3A_381] {strides = array<i32>} : memref<64x128xf32, #tpu.memory_space<vmem>>, vector<1x16xf32>,
        %swap3A_383 = vector.shape_cast %swap3A_382 : vector<1x16xf32> to vector<16xf32>
        %swap3A_384 = vector.shape_cast %add3A_379 : vector<16xf32> to vector<1x16xf32>
        tpu.vector_store %arg7[%swap3A_380, %swap3A_381], %swap3A_384 {strides = array<i32>} : memref<64x128xf32, #tpu.memory_space<vmem>>, vector<1x16xf32>,
        %get3A_385 = arith.index_cast %mul3A_61 : i32 to index
        %get3A_386 = arith.constant 80 : index
        %get3A_387 = tpu.vector_load %arg6[%get3A_385, %get3A_386] {strides = array<i32>} : memref<576x128xf32, #tpu.memory_space<vmem>>, vector<1x16xf32>,
        %get3A_388 = vector.shape_cast %get3A_387 : vector<1x16xf32> to vector<16xf32>
        %add3A_389 = arith.constant 1 : i32
        %add3A_390 = arith.addi %mul3A_61, %add3A_389 : i32
        %get3A_391 = arith.index_cast %add3A_390 : i32 to index
        %get3A_392 = arith.constant 80 : index
        %get3A_393 = tpu.vector_load %arg6[%get3A_391, %get3A_392] {strides = array<i32>} : memref<576x128xf32, #tpu.memory_space<vmem>>, vector<1x16xf32>,
        %get3A_394 = vector.shape_cast %get3A_393 : vector<1x16xf32> to vector<16xf32>
        %add3A_395 = arith.addf %get3A_388, %get3A_394 : vector<16xf32>
        %add3A_396 = arith.constant 2 : i32
        %add3A_397 = arith.addi %mul3A_61, %add3A_396 : i32
        %get3A_398 = arith.index_cast %add3A_397 : i32 to index
        %get3A_399 = arith.constant 80 : index
        %get3A_400 = tpu.vector_load %arg6[%get3A_398, %get3A_399] {strides = array<i32>} : memref<576x128xf32, #tpu.memory_space<vmem>>, vector<1x16xf32>,
        %get3A_401 = vector.shape_cast %get3A_400 : vector<1x16xf32> to vector<16xf32>
        %add3A_402 = arith.addf %add3A_395, %get3A_401 : vector<16xf32>
        %add3A_403 = arith.constant 3 : i32
        %add3A_404 = arith.addi %mul3A_61, %add3A_403 : i32
        %get3A_405 = arith.index_cast %add3A_404 : i32 to index
        %get3A_406 = arith.constant 80 : index
        %get3A_407 = tpu.vector_load %arg6[%get3A_405, %get3A_406] {strides = array<i32>} : memref<576x128xf32, #tpu.memory_space<vmem>>, vector<1x16xf32>,
        %get3A_408 = vector.shape_cast %get3A_407 : vector<1x16xf32> to vector<16xf32>
        %add3A_409 = arith.addf %add3A_402, %get3A_408 : vector<16xf32>
        %add3A_410 = arith.constant 4 : i32
        %add3A_411 = arith.addi %mul3A_61, %add3A_410 : i32
        %get3A_412 = arith.index_cast %add3A_411 : i32 to index
        %get3A_413 = arith.constant 80 : index
        %get3A_414 = tpu.vector_load %arg6[%get3A_412, %get3A_413] {strides = array<i32>} : memref<576x128xf32, #tpu.memory_space<vmem>>, vector<1x16xf32>,
        %get3A_415 = vector.shape_cast %get3A_414 : vector<1x16xf32> to vector<16xf32>
        %add3A_416 = arith.addf %add3A_409, %get3A_415 : vector<16xf32>
        %add3A_417 = arith.constant 5 : i32
        %add3A_418 = arith.addi %mul3A_61, %add3A_417 : i32
        %get3A_419 = arith.index_cast %add3A_418 : i32 to index
        %get3A_420 = arith.constant 80 : index
        %get3A_421 = tpu.vector_load %arg6[%get3A_419, %get3A_420] {strides = array<i32>} : memref<576x128xf32, #tpu.memory_space<vmem>>, vector<1x16xf32>,
        %get3A_422 = vector.shape_cast %get3A_421 : vector<1x16xf32> to vector<16xf32>
        %add3A_423 = arith.addf %add3A_416, %get3A_422 : vector<16xf32>
        %add3A_424 = arith.constant 6 : i32
        %add3A_425 = arith.addi %mul3A_61, %add3A_424 : i32
        %get3A_426 = arith.index_cast %add3A_425 : i32 to index
        %get3A_427 = arith.constant 80 : index
        %get3A_428 = tpu.vector_load %arg6[%get3A_426, %get3A_427] {strides = array<i32>} : memref<576x128xf32, #tpu.memory_space<vmem>>, vector<1x16xf32>,
        %get3A_429 = vector.shape_cast %get3A_428 : vector<1x16xf32> to vector<16xf32>
        %add3A_430 = arith.addf %add3A_423, %get3A_429 : vector<16xf32>
        %add3A_431 = arith.constant 7 : i32
        %add3A_432 = arith.addi %mul3A_61, %add3A_431 : i32
        %get3A_433 = arith.index_cast %add3A_432 : i32 to index
        %get3A_434 = arith.constant 80 : index
        %get3A_435 = tpu.vector_load %arg6[%get3A_433, %get3A_434] {strides = array<i32>} : memref<576x128xf32, #tpu.memory_space<vmem>>, vector<1x16xf32>,
        %get3A_436 = vector.shape_cast %get3A_435 : vector<1x16xf32> to vector<16xf32>
        %add3A_437 = arith.addf %add3A_430, %get3A_436 : vector<16xf32>
        %add3A_438 = arith.constant 8 : i32
        %add3A_439 = arith.addi %mul3A_61, %add3A_438 : i32
        %get3A_440 = arith.index_cast %add3A_439 : i32 to index
        %get3A_441 = arith.constant 80 : index
        %get3A_442 = tpu.vector_load %arg6[%get3A_440, %get3A_441] {strides = array<i32>} : memref<576x128xf32, #tpu.memory_space<vmem>>, vector<1x16xf32>,
        %get3A_443 = vector.shape_cast %get3A_442 : vector<1x16xf32> to vector<16xf32>
        %add3A_444 = arith.addf %add3A_437, %get3A_443 : vector<16xf32>
        %swap3A_445 = arith.index_cast %scan3A_58 : i32 to index
        %swap3A_446 = arith.constant 80 : index
        %swap3A_447 = tpu.vector_load %arg7[%swap3A_445, %swap3A_446] {strides = array<i32>} : memref<64x128xf32, #tpu.memory_space<vmem>>, vector<1x16xf32>,
        %swap3A_448 = vector.shape_cast %swap3A_447 : vector<1x16xf32> to vector<16xf32>
        %swap3A_449 = vector.shape_cast %add3A_444 : vector<16xf32> to vector<1x16xf32>
        tpu.vector_store %arg7[%swap3A_445, %swap3A_446], %swap3A_449 {strides = array<i32>} : memref<64x128xf32, #tpu.memory_space<vmem>>, vector<1x16xf32>,
        %get3A_450 = arith.index_cast %mul3A_61 : i32 to index
        %get3A_451 = arith.constant 96 : index
        %get3A_452 = tpu.vector_load %arg6[%get3A_450, %get3A_451] {strides = array<i32>} : memref<576x128xf32, #tpu.memory_space<vmem>>, vector<1x16xf32>,
        %get3A_453 = vector.shape_cast %get3A_452 : vector<1x16xf32> to vector<16xf32>
        %add3A_454 = arith.constant 1 : i32
        %add3A_455 = arith.addi %mul3A_61, %add3A_454 : i32
        %get3A_456 = arith.index_cast %add3A_455 : i32 to index
        %get3A_457 = arith.constant 96 : index
        %get3A_458 = tpu.vector_load %arg6[%get3A_456, %get3A_457] {strides = array<i32>} : memref<576x128xf32, #tpu.memory_space<vmem>>, vector<1x16xf32>,
        %get3A_459 = vector.shape_cast %get3A_458 : vector<1x16xf32> to vector<16xf32>
        %add3A_460 = arith.addf %get3A_453, %get3A_459 : vector<16xf32>
        %add3A_461 = arith.constant 2 : i32
        %add3A_462 = arith.addi %mul3A_61, %add3A_461 : i32
        %get3A_463 = arith.index_cast %add3A_462 : i32 to index
        %get3A_464 = arith.constant 96 : index
        %get3A_465 = tpu.vector_load %arg6[%get3A_463, %get3A_464] {strides = array<i32>} : memref<576x128xf32, #tpu.memory_space<vmem>>, vector<1x16xf32>,
        %get3A_466 = vector.shape_cast %get3A_465 : vector<1x16xf32> to vector<16xf32>
        %add3A_467 = arith.addf %add3A_460, %get3A_466 : vector<16xf32>
        %add3A_468 = arith.constant 3 : i32
        %add3A_469 = arith.addi %mul3A_61, %add3A_468 : i32
        %get3A_470 = arith.index_cast %add3A_469 : i32 to index
        %get3A_471 = arith.constant 96 : index
        %get3A_472 = tpu.vector_load %arg6[%get3A_470, %get3A_471] {strides = array<i32>} : memref<576x128xf32, #tpu.memory_space<vmem>>, vector<1x16xf32>,
        %get3A_473 = vector.shape_cast %get3A_472 : vector<1x16xf32> to vector<16xf32>
        %add3A_474 = arith.addf %add3A_467, %get3A_473 : vector<16xf32>
        %add3A_475 = arith.constant 4 : i32
        %add3A_476 = arith.addi %mul3A_61, %add3A_475 : i32
        %get3A_477 = arith.index_cast %add3A_476 : i32 to index
        %get3A_478 = arith.constant 96 : index
        %get3A_479 = tpu.vector_load %arg6[%get3A_477, %get3A_478] {strides = array<i32>} : memref<576x128xf32, #tpu.memory_space<vmem>>, vector<1x16xf32>,
        %get3A_480 = vector.shape_cast %get3A_479 : vector<1x16xf32> to vector<16xf32>
        %add3A_481 = arith.addf %add3A_474, %get3A_480 : vector<16xf32>
        %add3A_482 = arith.constant 5 : i32
        %add3A_483 = arith.addi %mul3A_61, %add3A_482 : i32
        %get3A_484 = arith.index_cast %add3A_483 : i32 to index
        %get3A_485 = arith.constant 96 : index
        %get3A_486 = tpu.vector_load %arg6[%get3A_484, %get3A_485] {strides = array<i32>} : memref<576x128xf32, #tpu.memory_space<vmem>>, vector<1x16xf32>,
        %get3A_487 = vector.shape_cast %get3A_486 : vector<1x16xf32> to vector<16xf32>
        %add3A_488 = arith.addf %add3A_481, %get3A_487 : vector<16xf32>
        %add3A_489 = arith.constant 6 : i32
        %add3A_490 = arith.addi %mul3A_61, %add3A_489 : i32
        %get3A_491 = arith.index_cast %add3A_490 : i32 to index
        %get3A_492 = arith.constant 96 : index
        %get3A_493 = tpu.vector_load %arg6[%get3A_491, %get3A_492] {strides = array<i32>} : memref<576x128xf32, #tpu.memory_space<vmem>>, vector<1x16xf32>,
        %get3A_494 = vector.shape_cast %get3A_493 : vector<1x16xf32> to vector<16xf32>
        %add3A_495 = arith.addf %add3A_488, %get3A_494 : vector<16xf32>
        %add3A_496 = arith.constant 7 : i32
        %add3A_497 = arith.addi %mul3A_61, %add3A_496 : i32
        %get3A_498 = arith.index_cast %add3A_497 : i32 to index
        %get3A_499 = arith.constant 96 : index
        %get3A_500 = tpu.vector_load %arg6[%get3A_498, %get3A_499] {strides = array<i32>} : memref<576x128xf32, #tpu.memory_space<vmem>>, vector<1x16xf32>,
        %get3A_501 = vector.shape_cast %get3A_500 : vector<1x16xf32> to vector<16xf32>
        %add3A_502 = arith.addf %add3A_495, %get3A_501 : vector<16xf32>
        %add3A_503 = arith.constant 8 : i32
        %add3A_504 = arith.addi %mul3A_61, %add3A_503 : i32
        %get3A_505 = arith.index_cast %add3A_504 : i32 to index
        %get3A_506 = arith.constant 96 : index
        %get3A_507 = tpu.vector_load %arg6[%get3A_505, %get3A_506] {strides = array<i32>} : memref<576x128xf32, #tpu.memory_space<vmem>>, vector<1x16xf32>,
        %get3A_508 = vector.shape_cast %get3A_507 : vector<1x16xf32> to vector<16xf32>
        %add3A_509 = arith.addf %add3A_502, %get3A_508 : vector<16xf32>
        %swap3A_510 = arith.index_cast %scan3A_58 : i32 to index
        %swap3A_511 = arith.constant 96 : index
        %swap3A_512 = tpu.vector_load %arg7[%swap3A_510, %swap3A_511] {strides = array<i32>} : memref<64x128xf32, #tpu.memory_space<vmem>>, vector<1x16xf32>,
        %swap3A_513 = vector.shape_cast %swap3A_512 : vector<1x16xf32> to vector<16xf32>
        %swap3A_514 = vector.shape_cast %add3A_509 : vector<16xf32> to vector<1x16xf32>
        tpu.vector_store %arg7[%swap3A_510, %swap3A_511], %swap3A_514 {strides = array<i32>} : memref<64x128xf32, #tpu.memory_space<vmem>>, vector<1x16xf32>,
        %get3A_515 = arith.index_cast %mul3A_61 : i32 to index
        %get3A_516 = arith.constant 112 : index
        %get3A_517 = tpu.vector_load %arg6[%get3A_515, %get3A_516] {strides = array<i32>} : memref<576x128xf32, #tpu.memory_space<vmem>>, vector<1x16xf32>,
        %get3A_518 = vector.shape_cast %get3A_517 : vector<1x16xf32> to vector<16xf32>
        %add3A_519 = arith.constant 1 : i32
        %add3A_520 = arith.addi %mul3A_61, %add3A_519 : i32
        %get3A_521 = arith.index_cast %add3A_520 : i32 to index
        %get3A_522 = arith.constant 112 : index
        %get3A_523 = tpu.vector_load %arg6[%get3A_521, %get3A_522] {strides = array<i32>} : memref<576x128xf32, #tpu.memory_space<vmem>>, vector<1x16xf32>,
        %get3A_524 = vector.shape_cast %get3A_523 : vector<1x16xf32> to vector<16xf32>
        %add3A_525 = arith.addf %get3A_518, %get3A_524 : vector<16xf32>
        %add3A_526 = arith.constant 2 : i32
        %add3A_527 = arith.addi %mul3A_61, %add3A_526 : i32
        %get3A_528 = arith.index_cast %add3A_527 : i32 to index
        %get3A_529 = arith.constant 112 : index
        %get3A_530 = tpu.vector_load %arg6[%get3A_528, %get3A_529] {strides = array<i32>} : memref<576x128xf32, #tpu.memory_space<vmem>>, vector<1x16xf32>,
        %get3A_531 = vector.shape_cast %get3A_530 : vector<1x16xf32> to vector<16xf32>
        %add3A_532 = arith.addf %add3A_525, %get3A_531 : vector<16xf32>
        %add3A_533 = arith.constant 3 : i32
        %add3A_534 = arith.addi %mul3A_61, %add3A_533 : i32
        %get3A_535 = arith.index_cast %add3A_534 : i32 to index
        %get3A_536 = arith.constant 112 : index
        %get3A_537 = tpu.vector_load %arg6[%get3A_535, %get3A_536] {strides = array<i32>} : memref<576x128xf32, #tpu.memory_space<vmem>>, vector<1x16xf32>,
        %get3A_538 = vector.shape_cast %get3A_537 : vector<1x16xf32> to vector<16xf32>
        %add3A_539 = arith.addf %add3A_532, %get3A_538 : vector<16xf32>
        %add3A_540 = arith.constant 4 : i32
        %add3A_541 = arith.addi %mul3A_61, %add3A_540 : i32
        %get3A_542 = arith.index_cast %add3A_541 : i32 to index
        %get3A_543 = arith.constant 112 : index
        %get3A_544 = tpu.vector_load %arg6[%get3A_542, %get3A_543] {strides = array<i32>} : memref<576x128xf32, #tpu.memory_space<vmem>>, vector<1x16xf32>,
        %get3A_545 = vector.shape_cast %get3A_544 : vector<1x16xf32> to vector<16xf32>
        %add3A_546 = arith.addf %add3A_539, %get3A_545 : vector<16xf32>
        %add3A_547 = arith.constant 5 : i32
        %add3A_548 = arith.addi %mul3A_61, %add3A_547 : i32
        %get3A_549 = arith.index_cast %add3A_548 : i32 to index
        %get3A_550 = arith.constant 112 : index
        %get3A_551 = tpu.vector_load %arg6[%get3A_549, %get3A_550] {strides = array<i32>} : memref<576x128xf32, #tpu.memory_space<vmem>>, vector<1x16xf32>,
        %get3A_552 = vector.shape_cast %get3A_551 : vector<1x16xf32> to vector<16xf32>
        %add3A_553 = arith.addf %add3A_546, %get3A_552 : vector<16xf32>
        %add3A_554 = arith.constant 6 : i32
        %add3A_555 = arith.addi %mul3A_61, %add3A_554 : i32
        %get3A_556 = arith.index_cast %add3A_555 : i32 to index
        %get3A_557 = arith.constant 112 : index
        %get3A_558 = tpu.vector_load %arg6[%get3A_556, %get3A_557] {strides = array<i32>} : memref<576x128xf32, #tpu.memory_space<vmem>>, vector<1x16xf32>,
        %get3A_559 = vector.shape_cast %get3A_558 : vector<1x16xf32> to vector<16xf32>
        %add3A_560 = arith.addf %add3A_553, %get3A_559 : vector<16xf32>
        %add3A_561 = arith.constant 7 : i32
        %add3A_562 = arith.addi %mul3A_61, %add3A_561 : i32
        %get3A_563 = arith.index_cast %add3A_562 : i32 to index
        %get3A_564 = arith.constant 112 : index
        %get3A_565 = tpu.vector_load %arg6[%get3A_563, %get3A_564] {strides = array<i32>} : memref<576x128xf32, #tpu.memory_space<vmem>>, vector<1x16xf32>,
        %get3A_566 = vector.shape_cast %get3A_565 : vector<1x16xf32> to vector<16xf32>
        %add3A_567 = arith.addf %add3A_560, %get3A_566 : vector<16xf32>
        %add3A_568 = arith.constant 8 : i32
        %add3A_569 = arith.addi %mul3A_61, %add3A_568 : i32
        %get3A_570 = arith.index_cast %add3A_569 : i32 to index
        %get3A_571 = arith.constant 112 : index
        %get3A_572 = tpu.vector_load %arg6[%get3A_570, %get3A_571] {strides = array<i32>} : memref<576x128xf32, #tpu.memory_space<vmem>>, vector<1x16xf32>,
        %get3A_573 = vector.shape_cast %get3A_572 : vector<1x16xf32> to vector<16xf32>
        %add3A_574 = arith.addf %add3A_567, %get3A_573 : vector<16xf32>
        %swap3A_575 = arith.index_cast %scan3A_58 : i32 to index
        %swap3A_576 = arith.constant 112 : index
        %swap3A_577 = tpu.vector_load %arg7[%swap3A_575, %swap3A_576] {strides = array<i32>} : memref<64x128xf32, #tpu.memory_space<vmem>>, vector<1x16xf32>,
        %swap3A_578 = vector.shape_cast %swap3A_577 : vector<1x16xf32> to vector<16xf32>
        %swap3A_579 = vector.shape_cast %add3A_574 : vector<16xf32> to vector<1x16xf32>
        tpu.vector_store %arg7[%swap3A_575, %swap3A_576], %swap3A_579 {strides = array<i32>} : memref<64x128xf32, #tpu.memory_space<vmem>>, vector<1x16xf32>,
        %scan3A_580 = arith.constant 0 : i32
        scf.yield %scan3A_580 : i32
      }
      %scan3A_56 = arith.constant 64 : i32
      "tpu.region"() ({
        %run_scoped3A = tpu.sem_alloc : memref<!tpu.dma_semaphore, #tpu.memory_space<semaphore_mem>>
        %dma_start3A_58 = arith.constant 0 : i32
        %dma_start3A_59 = tpu.memref_slice %arg4[%min3A_44, %dma_start3A_58] : memref<100000x128xf32, #tpu.memory_space<hbm>> -> memref<64x128xf32, #tpu.memory_space<hbm>>
        %dma_start3A_60 = arith.constant 0 : i32
        %dma_start3A_61 = tpu.memref_slice %arg4[%min3A_44, %dma_start3A_60] : memref<100000x128xf32, #tpu.memory_space<hbm>> -> memref<64x128xf32, #tpu.memory_space<hbm>>
        tpu.enqueue_dma source(%arg7 : memref<64x128xf32, #tpu.memory_space<vmem>>) target(%dma_start3A_61 : memref<64x128xf32, #tpu.memory_space<hbm>>) target_semaphore(%run_scoped3A : memref<!tpu.dma_semaphore, #tpu.memory_space<semaphore_mem>>)
        %dma_wait3A_62 = arith.constant 0 : i32
        %dma_wait3A_63 = tpu.memref_slice %arg4[%min3A_44, %dma_wait3A_62] : memref<100000x128xf32, #tpu.memory_space<hbm>> -> memref<64x128xf32, #tpu.memory_space<hbm>>
        %dma_wait3A_64 = arith.constant 0 : i32
        %dma_wait3A_65 = tpu.memref_slice %arg4[%min3A_44, %dma_wait3A_64] : memref<100000x128xf32, #tpu.memory_space<hbm>> -> memref<64x128xf32, #tpu.memory_space<hbm>>
        tpu.wait_dma2 semaphore(%run_scoped3A : memref<!tpu.dma_semaphore, #tpu.memory_space<semaphore_mem>>) src(%arg7 : memref<64x128xf32, #tpu.memory_space<vmem>>) dst(%dma_wait3A_65 : memref<64x128xf32, #tpu.memory_space<hbm>>)
        tpu.yield
      }) : () -> ()
      %while3A_57 = arith.constant 0 : i32
      scf.yield %while3A_57 : i32
    }
    return
  }
}

</mosaic_0001>

<sc_bundles>
// kernel: kernel.3.cloned.1.call-start
scs
__scs_entry_jumppad:
0x0: {  	(pc) =	sbr.rel $0x88, $3  }
0x1: {  	(tag) =	ssettag $0x0;
	lr =	simm.s32 $0x1  }
0x2: {  	[smem:$0x3F97] =	sst lr;
	_ =	strace $0xD0000000  }
0x3: {  	_ = 	snop  }
0x4: {  	_ = 	snop  }
0x5: {  	_ = 	snop  }
0x6: {  	_ = 	snop  }
0x7: {  	_ = 	snop  }
__scs_overlays_trampoline_lowered:
0x8: {  	[smem:$0x3FA6] =	sst s0  }
0x9: {  	[smem:$0x3FA7] =	sst s1  }
0xa: {  	[smem:$0x3FA8] =	sst s2  }
0xb: {  	[smem:$0x3FA9] =	sst s3  }
0xc: {  	[smem:$0x3FAA] =	sst s4  }
0xd: {  	[smem:$0x3FAB] =	sst s5  }
0xe: {  	[smem:$0x3FAC] =	sst s6  }
0xf: {  	[smem:$0x3FAD] =	sst s7  }
0x10: {  	[smem:$0x3FAE] =	sst s8  }
0x11: {  	[smem:$0x3FAF] =	sst s9;
	s0 =	simm.s32 @!p0 $0x0  }
0x12: {  	s1 =	sld [smem:$0x3F95];
	s0 =	simm.s32 @p0 $0x1  }
0x13: {  	[smem:$0x3FB0] =	sst s0;
	s0 =	simm.s32 @!p1 $0x0  }
0x14: {  	s2 =	sld [smem:$0x3F94];
	s0 =	simm.s32 @p1 $0x1  }
0x15: {  	[smem:$0x3FB1] =	sst s0;
	s0 =	simm.s32 @!p2 $0x0  }
0x16: {  	s3 =	sld [smem:$0x3FDB];
	s0 =	simm.s32 @p2 $0x1  }
0x17: {  	s4 =	simm.s32 $0x1BF5;
	[smem:$0x3FB3] =	sst s0  }
0x18: {  	s0 =	sld [smem:$0x3F96];
	_ =	swait.ge [sflag:s4], $0x0  }
0x19: {  	s7 =	sld [smem:$0x3F97]  }
0x1a: {  	s8 =	sadd.s32 $0xFFFFE003, lr  }
0x1b: {  	s9 =	sadd.s32 $0xFFFFFEF7, lr;
	s5 =	simm.s32 $0xFFFFFFFF;
	p2 =	slt.u32 s8, $0xFFFFF086  }
0x1c: {  	p1 =	slt.u32 s9, $0xF7A;
	s5 =	simm.s32 @!p2 $0x0  }
0x1d: {  	s5 =	simm.s32 @p1 $0x1;
	p0 =	seq.s32 s7, s2  }
0x1e: {  	s7 =	smul.u32 @!p0 $0xF7A, s2;
	p2 =	seq.s32 @!p0 s5, $0x0  }
0x1f: {  	s9 =	smul.u32 $0xF7A, s1;
	s8 =	simm.s32 @!p0 $0x1BF5;
	p2 =	por !p2, p0  }
0x20: {  	[sflag:s8] =	ssyncset.s32 @!p0 $0xFFFFF086;
	s6 =	sadd.s32 @!p0 s3, s7;
	s7 =	simm.s32 @!p0 $0x108  }
0x21: {  	s3 =	sadd.s32 s3, s9;
	s6 =	sadd.s32 @!p0 $0x88, s6;
	s7 =	simm.s32 @p2 $0x1082  }
0x22: {  	[simem:s7], [sflag:s8] =	dma.local @!p0 [hbm:s6], $0xF7A  }
0x23: {  	s9 =	sor.u32 $0xD0000000, s2;
	s6 =	simm.s32 $0x108;
	_ =	swait.ge @!p0 [sflag:s8], $0x0  }
0x24: {  	s3 =	sadd.s32 $0x88, s3;
	s6 =	simm.s32 @!p1 $0x1082;
	[sflag:s4] =	ssyncset.s32 $0xFFFFF086  }
0x25: {  	[simem:s6], [sflag:s4] =	dma.local [hbm:s3], $0xF7A  }
0x26: {  	[smem:$0x3F97] =	sst s1;
	(tag) =	ssettag s2;
	_ =	strace s9  }
0x27: {  	s1 =	sld [smem:$0x3FA7]  }
0x28: {  	s2 =	sld [smem:$0x3FA8]  }
0x29: {  	s4 =	sld [smem:$0x3FAA]  }
0x2a: {  	p0 =	seq.s32 s5, $0x0;
	s5 =	sld [smem:$0x3FAB]  }
0x2b: {  	s6 =	sld [smem:$0x3FAC]  }
0x2c: {  	s7 =	sld [smem:$0x3FAD]  }
0x2d: {  	s3 =	simm.s32 $0x108;
	s8 =	sld [smem:$0x3FAE]  }
0x2e: {  	s3 =	simm.s32 @!p0 $0x1082;
	s9 =	sld [smem:$0x3FAF]  }
0x2f: {  	lr =	sadd.s32 s0, s3;
	s0 =	sld [smem:$0x3FA6]  }
0x30: {  	s3 =	sld [smem:$0x3FA9]  }
0x31: {  	[smem:$0x3FB2] =	sst s10  }
0x32: {  	s10 =	sld [smem:$0x3FB0];
	_ =	sdelay $0x3  }
0x33: {  	p0 =	seq.s32 s10, $0x1;
	s10 =	sld [smem:$0x3FB2];
	_ =	sdelay $0x3  }
0x34: {  	[smem:$0x3FB2] =	sst s10  }
0x35: {  	s10 =	sld [smem:$0x3FB1];
	_ =	sdelay $0x3  }
0x36: {  	p1 =	seq.s32 s10, $0x1;
	s10 =	sld [smem:$0x3FB2];
	_ =	sdelay $0x3  }
0x37: {  	[smem:$0x3FB2] =	sst s10  }
0x38: {  	s10 =	sld [smem:$0x3FB3]  }
0x39: {  	_ = 	snop;
	(pc) =	sbr.ind lr, $3  }
0x3a: {  	_ = 	snop  }
0x3b: {  	_ = 	snop  }
0x3c: {  	p2 =	seq.s32 s10, $0x1;
	s10 =	sld [smem:$0x3FB2]  }
0x3d: {  	_ =	shalt  }
0x3e: {  	_ =	shalt  }
0x3f: {  	_ =	shalt  }
0x40: {  	_ =	shalt  }
0x41: {  	_ =	shalt  }
0x42: {  	_ =	shalt  }
0x43: {  	_ =	shalt  }
0x44: {  	_ =	shalt  }
0x45: {  	_ =	shalt  }
0x46: {  	_ =	shalt  }
0x47: {  	_ =	shalt  }
0x48: {  	_ =	shalt  }
0x49: {  	_ =	shalt  }
0x4a: {  	_ =	shalt  }
0x4b: {  	_ =	shalt  }
0x4c: {  	_ =	shalt  }
0x4d: {  	_ =	shalt  }
0x4e: {  	_ =	shalt  }
0x4f: {  	_ =	shalt  }
0x50: {  	_ =	shalt  }
0x51: {  	_ =	shalt  }
0x52: {  	_ =	shalt  }
0x53: {  	_ =	shalt  }
0x54: {  	_ =	shalt  }
0x55: {  	_ =	shalt  }
0x56: {  	_ =	shalt  }
0x57: {  	_ =	shalt  }
0x58: {  	_ =	shalt  }
0x59: {  	_ =	shalt  }
0x5a: {  	_ =	shalt  }
0x5b: {  	_ =	shalt  }
0x5c: {  	_ =	shalt  }
0x5d: {  	_ =	shalt  }
0x5e: {  	_ =	shalt  }
0x5f: {  	_ =	shalt  }
0x60: {  	_ =	shalt  }
0x61: {  	_ =	shalt  }
0x62: {  	_ =	shalt  }
0x63: {  	_ =	shalt  }
0x64: {  	_ =	shalt  }
0x65: {  	_ =	shalt  }
0x66: {  	_ =	shalt  }
0x67: {  	_ =	shalt  }
0x68: {  	_ =	shalt  }
0x69: {  	_ =	shalt  }
0x6a: {  	_ =	shalt  }
0x6b: {  	_ =	shalt  }
0x6c: {  	_ =	shalt  }
0x6d: {  	_ =	shalt  }
0x6e: {  	_ =	shalt  }
0x6f: {  	_ =	shalt  }
0x70: {  	_ =	shalt  }
0x71: {  	_ =	shalt  }
0x72: {  	_ =	shalt  }
0x73: {  	_ =	shalt  }
0x74: {  	_ =	shalt  }
0x75: {  	_ =	shalt  }
0x76: {  	_ =	shalt  }
0x77: {  	_ =	shalt  }
0x78: {  	_ =	shalt  }
0x79: {  	_ =	shalt  }
0x7a: {  	_ =	shalt  }
0x7b: {  	_ =	shalt  }
0x7c: {  	_ =	shalt  }
0x7d: {  	_ =	shalt  }
0x7e: {  	_ =	shalt  }
0x7f: {  	_ =	shalt  }
0x80: {  	_ =	shalt  }
0x81: {  	_ =	shalt  }
0x82: {  	_ =	shalt  }
0x83: {  	_ =	shalt  }
0x84: {  	_ =	shalt  }
0x85: {  	_ =	shalt  }
0x86: {  	_ =	shalt  }
0x87: {  	_ =	shalt  }
.Lfunc_end0:
.L_simem_size_0:
called_computation_lowered:
.L_overlay_start_0:
0x88: {  	s2 =	sld [smem:$0x3FD9]  }
0x89: {  	s3 =	sld [smem:$0x3FFE];
	_ =	sdelay $0x1  }
0x8a: {  	s1 =	srdreg.scid  }
0x8b: {  	s0 =	sand.u32 $0x1, s1  }
0x8c: {  	s17 =	sshll.u32 s0, $0xA;
	s2 =	sadd.s32 s3, s2  }
0x8d: {  	s2 =	sadd.s32 s2, s17  }
0x8e: {  	[smem:$0x3FBE] =	sst s2  }
0x8f: {  	_ = 	snop  }
0x90: {  	s2 =	sld [smem:$0x3FD0];
	(tm) =	ssettm $0x1  }
0x91: {  	s18 =	sld [smem:$0x3FFB];
	_ =	sdelay $0x3  }
0x92: {  	_ =	strace s18  }
0x93: {  	s3 =	sld [smem:$0x3FFC];
	_ =	sdelay $0x3  }
0x94: {  	_ =	strace s3  }
0x95: {  	s3 =	sld [smem:$0x3FFD];
	_ =	sdelay $0x3  }
0x96: {  	_ =	strace s3  }
0x97: {  	_ =	strace $0x8FFFFFFF  }
0x98: {  	s19 =	sld [smem:$0x3FDB];
	_ =	sdelay $0x1  }
0x99: {  	s4 =	simm.s32 $_scs_section_size  }
0x9a: {  	s5 =	simm.s32 $_size__tile_overlayer_lowered;
	s6 =	simm.s32 $_tile_overlayer_lowered  }
0x9b: {  	s22 =	simm.s32 $0x1BFF;
	s21 =	sshll.u32 s6, $0x1;
	s3 =	sadd.s32 s4, s19  }
0x9c: {  	s7 =	simm.s32 $0x0;
	s20 =	sshll.u32 s5, $0x1;
	s5 =	sadd.s32 s21, s3  }
0x9d: {  	[timem:s7], [sflag:s22] =	dma.local [hbm:s5], s20  }
0x9e: {  	_ =	swait.ge [sflag:s22], s20  }
0x9f: {  	s4 =	ssub.s32 $0x0, s20;
	[sflag:s22] =	ssyncset.done $0x0  }
0xa0: {  	[sflag:s22] =	ssyncadd.s32 s4;
	_ =	sdelay $0x1  }
0xa1: {  	s23 =	simm.s32 $0x1B8B  }
0xa2: {  	_ =	swait.ge [sflag:s23], $0x1  }
0xa3: {  	[sflag:s23] =	ssyncset.done $0x0  }
0xa4: {  	s25 =	simm.s32 $0x1B8E;
	s24 =	sld [smem:$0x3FFE];
	[sflag:s23] =	ssyncadd.s32 $0xFFFFFFFF  }
0xa5: {  	s26 =	simm.s32 $execute0_lowered;
	[smem:$0x3FD2] =	sst s25  }
0xa6: {  	s5 =	sshll.u32 s26, $0x1;
	_ =	strace $0x80000046;
	[dreg:$0x1] =	wrdreg $0xFFFFFFFF  }
0xa7: {  	s28 =	simm.s32 $_size_execute0_lowered;
	s3 =	sadd.s32 s3, s5;
	[dreg:$0x0] =	wrdreg $0x0  }
0xa8: {  	s5 =	sshll.u32 s28, $0x1;
	[dreg:$0x2] =	wrdreg s3  }
0xa9: {  	[dreg:$0x3] =	wrdreg s5  }
0xaa: {  	[dreg:$0x4] =	wrdreg $0xC0  }
0xab: {  	_ =	task [dreg:s7], $0x5FFFF  }
0xac: {  	[dreg:$0x1] =	wrdreg $0xFFFFFFFF  }
0xad: {  	[dreg:$0x0] =	wrdreg $0x60  }
0xae: {  	[dreg:$0x2] =	wrdreg s24  }
0xaf: {  	[dreg:$0x3] =	wrdreg s2  }
0xb0: {  	[dreg:$0x4] =	wrdreg $0x9  }
0xb1: {  	_ =	task.clear_ibuf [dreg:s7], $0x5FFFF;
	_ =	strace $0x90000046  }
0xb2: {  	s29 =	simm.s32 $0x9;
	_ =	strace $0x80000048  }
0xb3: {  	_ =	swait.ge [sflag:s29], $0x1  }
0xb4: {  	[sflag:s29] =	ssyncadd.s32 $0xFFFFFFFF  }
0xb5: {  	_ =	strace $0x90000048  }
0xb6: {  	_ =	sfence  }
0xb7: {  	s30 =	sld [smem:$0x0];
	_ =	sdelay $0x2  }
0xb8: {  	s31 =	sshll.u32 s1, $0xD;
	s1 =	sshrl.u32 s1, $0x2  }
0xb9: {  	s3 =	sand.u32 $0x4000, s31;
	s1 =	sadd.s32 s1, s30  }
0xba: {  	s0 =	sor.u32 s3, s0;
	s1 =	sshll.u32 s1, $0x11  }
0xbb: {  	s0 =	sor.u32 s1, s0  }
0xbc: {  	s0 =	sadd.s32 $0x8F2B, s0  }
0xbd: {  	[sflag:s0] =	ssyncadd.remote.s32 $0x1  }
0xbe: {  	_ =	sfence.sel $0xFFFF  }
0xbf: {  	[dreg:$0x0] =	wrdreg $0xFFFFFFFF;
	(pc) =	sbr.abs _section_cstart, $3  }
0xc0: {  	[dreg:$0x1] =	wrdreg $0xFFFFFFFF  }
0xc1: {  	_ =	task.clear_ibuf [dreg:s7], $0x2FFFF;
	_ =	strace $0x9FFFFFFF  }
0xc2: {  	(tm) =	ssettm $0x7FFFFFFF  }
0xc3: {  	_ =	shalt  }
tec
execute0_lowered:
.L_overlay_start_1:
0x0: {  	(tag) =	ssettag $0x1  }
0x1: {  	s1 =	srdreg.scid;
	s6 =	rddreg [dreg:$0x0]  }
0x2: {  	s0 =	stileid.u32;
	s2 =	rddreg [dreg:$0x1]  }
0x3: {  	s4 =	simm.s32 $0x0;
	s5 =	sand.u32 $0x1, s1;
	s29 =	sshll.u32 s0, $0x1  }
0x4: {  	s10 =	simm.s32 $0x240;
	s11 =	simm.s32 $0x280;
	s1 =	sor.u32 s5, s29  }
0x5: {  	s12 =	simm.s32 $0x1;
	s13 =	simm.s32 $0x12280;
	s3 =	smul.u32 $0xC80, s1  }
0x6: {  	s14 =	simm.s32 $0x0;
	[smem:$0x7FF] =	sst s4;
	s7 =	ssub.s32 $0x2, s5  }
0x7: {  	s5 =	sadd.s32 $0x1CE00, s6;
	s6 =	sadd.s32 $0x1600, s6;
	s30 =	ssub.s32 $0x186A0, s3  }
0x8: {  	s1 =	rddreg [dreg:$0x2];
	s8 =	sshrl.u32 s7, $0x1;
	s9 =	smin.u32 s30, $0xC80  }
0x9: {  	_ =	strace $0x80000047;
	s8 =	ssub.s32 s7, s8;
	s31 =	sadd.s32 $0x20, s9  }
0xa: {  	s8 =	smax.u32 s8, $0x1;
	s9 =	simm.s32 $0x2;
	s7 =	sshrl.u32 s31, $0x6  }
.LBB2_1:
0xb: {  	s15 =	simm.s32 $0x0  }
.LBB2_2:
0xc: {  	s16 =	sshll.u32 s15, $0x6  }
0xd: {  	s16 =	sadd.s32 s3, s16  }
0xe: {  	p0 =	slt.s32 s16, $0x18660  }
0xf: {  	s16 =	simm.s32 @!p0 $0x18660  }
0x10: {  	s17 =	smul.u32 $0x9, s16;
	_ =	sdelay $0x1  }
0x11: {  	s17 =	sshrl.u32 s17, $0x3  }
0x12: {  	s18 =	simm.s32 $0x0;
	s17 =	sadd.s32 s6, s17  }
0x13: {  	[tilespmem:s18], [sflag:$0x2] =	stream.linear.gather [hbm4b:s17+s18], $0x240, $0x38;
	[tilespmem:$0x14280] =	vst v63  }
0x14: {  	_ =	swait.ge [sflag:s9], $0x240  }
0x15: {  	[sflag:s9] =	ssyncset.done $0x0  }
0x16: {  	[sflag:s9] =	ssyncadd.s32 $0xFFFFFDC0  }
0x17: {  	[tilespmem:s11], [sflag:$0x1] =	stream.indirect.gather [hbm4b:s5+s10], $0x80, s18, s10, $0xb8;
	[tilespmem:$0x14280] =	vst v63  }
0x18: {  	_ =	swait.ge [sflag:s12], $0x12000  }
0x19: {  	[sflag:s12] =	ssyncset.done $0x0  }
0x1a: {  	s17 =	simm.s32 $0x4C0;
	[sflag:s12] =	ssyncadd.s32 $0xFFFEE000  }
0x1b: {  	v0 =	vld [tilespmem:s17+$0xFFFFFE40]  }
0x1c: {  	v1 =	vld [tilespmem:s17+$0xFFFFFDC0];
	_ =	sdelay $0x1  }
0x1d: {  	v2 =	vld [tilespmem:s17+$0xFFFFFEC0];
	_ =	sdelay $0x1  }
0x1e: {  	v3 =	vld [tilespmem:s17+$0xFFFFFF40]  }
0x1f: {  	v0 =	vadd.f32 v0, v1  }
0x20: {  	v1 =	vld [tilespmem:s17+$0xFFFFFFC0]  }
0x21: {  	v0 =	vadd.f32 v2, v0  }
0x22: {  	v2 =	vld [tilespmem:s17+$0x40]  }
0x23: {  	v0 =	vadd.f32 v3, v0  }
0x24: {  	v3 =	vld [tilespmem:s17+$0xC0]  }
0x25: {  	v0 =	vadd.f32 v1, v0  }
0x26: {  	v1 =	vld [tilespmem:s17+$0x140]  }
0x27: {  	v0 =	vadd.f32 v2, v0  }
0x28: {  	v2 =	vld [tilespmem:s17+$0x1C0]  }
0x29: {  	v0 =	vadd.f32 v3, v0;
	_ =	sdelay $0x1  }
0x2a: {  	v0 =	vadd.f32 v1, v0;
	_ =	sdelay $0x1  }
0x2b: {  	v0 =	vadd.f32 v2, v0  }
0x2c: {  	s18 =	simm.s32 $0x0  }
0x2d: {  	[tilespmem:s18+$0x12280] =	vst v0  }
0x2e: {  	v0 =	vld [tilespmem:s17+$0xFFFFFDD0]  }
0x2f: {  	v1 =	vld [tilespmem:s17+$0xFFFFFE50];
	_ =	sdelay $0x1  }
0x30: {  	v2 =	vld [tilespmem:s17+$0xFFFFFED0];
	_ =	sdelay $0x1  }
0x31: {  	v3 =	vld [tilespmem:s17+$0xFFFFFF50]  }
0x32: {  	v0 =	vadd.f32 v1, v0  }
0x33: {  	v1 =	vld [tilespmem:s17+$0xFFFFFFD0]  }
0x34: {  	v0 =	vadd.f32 v2, v0  }
0x35: {  	v2 =	vld [tilespmem:s17+$0x50]  }
0x36: {  	v0 =	vadd.f32 v3, v0  }
0x37: {  	v3 =	vld [tilespmem:s17+$0xD0]  }
0x38: {  	v0 =	vadd.f32 v1, v0  }
0x39: {  	v1 =	vld [tilespmem:s17+$0x150]  }
0x3a: {  	v0 =	vadd.f32 v2, v0  }
0x3b: {  	v2 =	vld [tilespmem:s17+$0x1D0]  }
0x3c: {  	v0 =	vadd.f32 v3, v0;
	_ =	sdelay $0x1  }
0x3d: {  	v0 =	vadd.f32 v1, v0;
	_ =	sdelay $0x1  }
0x3e: {  	v0 =	vadd.f32 v2, v0;
	_ =	sdelay $0x1  }
0x3f: {  	[tilespmem:s18+$0x12290] =	vst v0  }
0x40: {  	v0 =	vld [tilespmem:s17+$0xFFFFFDE0]  }
0x41: {  	v1 =	vld [tilespmem:s17+$0xFFFFFE60];
	_ =	sdelay $0x1  }
0x42: {  	v2 =	vld [tilespmem:s17+$0xFFFFFEE0];
	_ =	sdelay $0x1  }
0x43: {  	v3 =	vld [tilespmem:s17+$0xFFFFFF60]  }
0x44: {  	v0 =	vadd.f32 v1, v0  }
0x45: {  	v1 =	vld [tilespmem:s17+$0xFFFFFFE0]  }
0x46: {  	v0 =	vadd.f32 v2, v0  }
0x47: {  	v2 =	vld [tilespmem:s17+$0x60]  }
0x48: {  	v0 =	vadd.f32 v3, v0  }
0x49: {  	v3 =	vld [tilespmem:s17+$0xE0]  }
0x4a: {  	v0 =	vadd.f32 v1, v0  }
0x4b: {  	v1 =	vld [tilespmem:s17+$0x160]  }
0x4c: {  	v0 =	vadd.f32 v2, v0  }
0x4d: {  	v2 =	vld [tilespmem:s17+$0x1E0]  }
0x4e: {  	v0 =	vadd.f32 v3, v0;
	_ =	sdelay $0x1  }
0x4f: {  	v0 =	vadd.f32 v1, v0;
	_ =	sdelay $0x1  }
0x50: {  	v0 =	vadd.f32 v2, v0;
	_ =	sdelay $0x1  }
0x51: {  	[tilespmem:s18+$0x122A0] =	vst v0  }
0x52: {  	v0 =	vld [tilespmem:s17+$0xFFFFFDF0]  }
0x53: {  	v1 =	vld [tilespmem:s17+$0xFFFFFE70];
	_ =	sdelay $0x1  }
0x54: {  	v2 =	vld [tilespmem:s17+$0xFFFFFEF0];
	_ =	sdelay $0x1  }
0x55: {  	v3 =	vld [tilespmem:s17+$0xFFFFFF70]  }
0x56: {  	v0 =	vadd.f32 v1, v0  }
0x57: {  	v1 =	vld [tilespmem:s17+$0xFFFFFFF0]  }
0x58: {  	v0 =	vadd.f32 v2, v0  }
0x59: {  	v2 =	vld [tilespmem:s17+$0x70]  }
0x5a: {  	v0 =	vadd.f32 v3, v0  }
0x5b: {  	v3 =	vld [tilespmem:s17+$0xF0]  }
0x5c: {  	v0 =	vadd.f32 v1, v0  }
0x5d: {  	v1 =	vld [tilespmem:s17+$0x170]  }
0x5e: {  	v0 =	vadd.f32 v2, v0  }
0x5f: {  	v2 =	vld [tilespmem:s17+$0x1F0]  }
0x60: {  	v0 =	vadd.f32 v3, v0;
	_ =	sdelay $0x1  }
0x61: {  	v0 =	vadd.f32 v1, v0;
	_ =	sdelay $0x1  }
0x62: {  	v0 =	vadd.f32 v2, v0;
	_ =	sdelay $0x1  }
0x63: {  	[tilespmem:s18+$0x122B0] =	vst v0  }
0x64: {  	v0 =	vld [tilespmem:s17+$0xFFFFFE00]  }
0x65: {  	v1 =	vld [tilespmem:s17+$0xFFFFFE80];
	_ =	sdelay $0x1  }
0x66: {  	v2 =	vld [tilespmem:s17+$0xFFFFFF00];
	_ =	sdelay $0x1  }
0x67: {  	v3 =	vld [tilespmem:s17+$0xFFFFFF80]  }
0x68: {  	v0 =	vadd.f32 v1, v0  }
0x69: {  	v1 =	vld [tilespmem:s17+$0x0]  }
0x6a: {  	v0 =	vadd.f32 v2, v0  }
0x6b: {  	v2 =	vld [tilespmem:s17+$0x80]  }
0x6c: {  	v0 =	vadd.f32 v3, v0  }
0x6d: {  	v3 =	vld [tilespmem:s17+$0x100]  }
0x6e: {  	v0 =	vadd.f32 v1, v0  }
0x6f: {  	v1 =	vld [tilespmem:s17+$0x180]  }
0x70: {  	v0 =	vadd.f32 v2, v0  }
0x71: {  	v2 =	vld [tilespmem:s17+$0x200]  }
0x72: {  	v0 =	vadd.f32 v3, v0;
	_ =	sdelay $0x1  }
0x73: {  	v0 =	vadd.f32 v1, v0;
	_ =	sdelay $0x1  }
0x74: {  	v0 =	vadd.f32 v2, v0;
	_ =	sdelay $0x1  }
0x75: {  	[tilespmem:s18+$0x122C0] =	vst v0  }
0x76: {  	v0 =	vld [tilespmem:s17+$0xFFFFFE10]  }
0x77: {  	v1 =	vld [tilespmem:s17+$0xFFFFFE90];
	_ =	sdelay $0x1  }
0x78: {  	v2 =	vld [tilespmem:s17+$0xFFFFFF10];
	_ =	sdelay $0x1  }
0x79: {  	v3 =	vld [tilespmem:s17+$0xFFFFFF90]  }
0x7a: {  	v0 =	vadd.f32 v1, v0  }
0x7b: {  	v1 =	vld [tilespmem:s17+$0x10]  }
0x7c: {  	v0 =	vadd.f32 v2, v0  }
0x7d: {  	v2 =	vld [tilespmem:s17+$0x90]  }
0x7e: {  	v0 =	vadd.f32 v3, v0  }
0x7f: {  	v3 =	vld [tilespmem:s17+$0x110]  }
0x80: {  	v0 =	vadd.f32 v1, v0  }
0x81: {  	v1 =	vld [tilespmem:s17+$0x190]  }
0x82: {  	v0 =	vadd.f32 v2, v0  }
0x83: {  	v2 =	vld [tilespmem:s17+$0x210]  }
0x84: {  	v0 =	vadd.f32 v3, v0;
	_ =	sdelay $0x1  }
0x85: {  	v0 =	vadd.f32 v1, v0;
	_ =	sdelay $0x1  }
0x86: {  	v0 =	vadd.f32 v2, v0;
	_ =	sdelay $0x1  }
0x87: {  	[tilespmem:s18+$0x122D0] =	vst v0  }
0x88: {  	v0 =	vld [tilespmem:s17+$0xFFFFFE20]  }
0x89: {  	v1 =	vld [tilespmem:s17+$0xFFFFFEA0];
	_ =	sdelay $0x1  }
0x8a: {  	v2 =	vld [tilespmem:s17+$0xFFFFFF20];
	_ =	sdelay $0x1  }
0x8b: {  	v3 =	vld [tilespmem:s17+$0xFFFFFFA0]  }
0x8c: {  	v0 =	vadd.f32 v1, v0  }
0x8d: {  	v1 =	vld [tilespmem:s17+$0x20]  }
0x8e: {  	v0 =	vadd.f32 v2, v0  }
0x8f: {  	v2 =	vld [tilespmem:s17+$0xA0]  }
0x90: {  	v0 =	vadd.f32 v3, v0  }
0x91: {  	v3 =	vld [tilespmem:s17+$0x120]  }
0x92: {  	v0 =	vadd.f32 v1, v0  }
0x93: {  	v1 =	vld [tilespmem:s17+$0x1A0]  }
0x94: {  	v0 =	vadd.f32 v2, v0  }
0x95: {  	v2 =	vld [tilespmem:s17+$0x220]  }
0x96: {  	v0 =	vadd.f32 v3, v0;
	_ =	sdelay $0x1  }
0x97: {  	v0 =	vadd.f32 v1, v0;
	_ =	sdelay $0x1  }
0x98: {  	v0 =	vadd.f32 v2, v0;
	_ =	sdelay $0x1  }
0x99: {  	[tilespmem:s18+$0x122E0] =	vst v0  }
0x9a: {  	v0 =	vld [tilespmem:s17+$0xFFFFFE30]  }
0x9b: {  	v1 =	vld [tilespmem:s17+$0xFFFFFEB0];
	_ =	sdelay $0x1  }
0x9c: {  	v2 =	vld [tilespmem:s17+$0xFFFFFF30];
	_ =	sdelay $0x1  }
0x9d: {  	v3 =	vld [tilespmem:s17+$0xFFFFFFB0]  }
0x9e: {  	v0 =	vadd.f32 v1, v0  }
0x9f: {  	v4 =	vld [tilespmem:s17+$0x30]  }
0xa0: {  	v2 =	vadd.f32 v2, v0  }
0xa1: {  	v1 =	vld [tilespmem:s17+$0x130]  }
0xa2: {  	v0 =	vld [tilespmem:s17+$0xB0];
	v5 =	vadd.f32 v3, v2  }
0xa3: {  	v2 =	vld [tilespmem:s17+$0x1B0]  }
0xa4: {  	s19 =	simm.s32 $0x200;
	v3 =	vld [tilespmem:s17+$0x230];
	v4 =	vadd.f32 v4, v5  }
.LBB2_3:
0xa5: {  	p0 =	sne.s32 s19, $0x7E00  }
0xa6: {  	s17 =	sadd.s32 $0x480, s17;
	s20 =	smov.u32 s19;
	s19 =	sadd.s32 $0x200, s19  }
0xa7: {  	v0 =	vadd.f32 v0, v4;
	_ =	sdelay $0x1  }
0xa8: {  	v0 =	vadd.f32 v1, v0;
	_ =	sdelay $0x1  }
0xa9: {  	v0 =	vadd.f32 v2, v0;
	_ =	sdelay $0x1  }
0xaa: {  	v0 =	vadd.f32 v3, v0;
	_ =	sdelay $0x1  }
0xab: {  	[tilespmem:s18+$0x122F0] =	vst v0  }
0xac: {  	v0 =	vld [tilespmem:s17+$0xFFFFFE40]  }
0xad: {  	v1 =	vld [tilespmem:s17+$0xFFFFFDC0];
	_ =	sdelay $0x1  }
0xae: {  	v2 =	vld [tilespmem:s17+$0xFFFFFEC0]  }
0xaf: {  	v3 =	vld [tilespmem:s17+$0xFFFFFF40];
	_ =	sdelay $0x1  }
0xb0: {  	v0 =	vadd.f32 v0, v1;
	v1 =	vld [tilespmem:s17+$0xFFFFFFC0];
	_ =	sdelay $0x1  }
0xb1: {  	v0 =	vadd.f32 v2, v0  }
0xb2: {  	v2 =	vld [tilespmem:s17+$0x40]  }
0xb3: {  	v0 =	vadd.f32 v3, v0  }
0xb4: {  	v3 =	vld [tilespmem:s17+$0xC0]  }
0xb5: {  	v0 =	vadd.f32 v1, v0  }
0xb6: {  	v1 =	vld [tilespmem:s17+$0x140]  }
0xb7: {  	v0 =	vadd.f32 v2, v0  }
0xb8: {  	v2 =	vld [tilespmem:s17+$0x1C0]  }
0xb9: {  	v0 =	vadd.f32 v3, v0;
	_ =	sdelay $0x1  }
0xba: {  	v0 =	vadd.f32 v1, v0;
	_ =	sdelay $0x1  }
0xbb: {  	v0 =	vadd.f32 v2, v0  }
0xbc: {  	s18 =	sshra.s32 s20, $0x2  }
0xbd: {  	[tilespmem:s18+$0x12280] =	vst v0  }
0xbe: {  	v0 =	vld [tilespmem:s17+$0xFFFFFDD0]  }
0xbf: {  	v1 =	vld [tilespmem:s17+$0xFFFFFE50];
	_ =	sdelay $0x1  }
0xc0: {  	v2 =	vld [tilespmem:s17+$0xFFFFFED0];
	_ =	sdelay $0x1  }
0xc1: {  	v3 =	vld [tilespmem:s17+$0xFFFFFF50]  }
0xc2: {  	v0 =	vadd.f32 v1, v0  }
0xc3: {  	v1 =	vld [tilespmem:s17+$0xFFFFFFD0]  }
0xc4: {  	v0 =	vadd.f32 v2, v0  }
0xc5: {  	v2 =	vld [tilespmem:s17+$0x50]  }
0xc6: {  	v0 =	vadd.f32 v3, v0  }
0xc7: {  	v3 =	vld [tilespmem:s17+$0xD0]  }
0xc8: {  	v0 =	vadd.f32 v1, v0  }
0xc9: {  	v1 =	vld [tilespmem:s17+$0x150]  }
0xca: {  	v0 =	vadd.f32 v2, v0  }
0xcb: {  	v2 =	vld [tilespmem:s17+$0x1D0]  }
0xcc: {  	v0 =	vadd.f32 v3, v0;
	_ =	sdelay $0x1  }
0xcd: {  	v0 =	vadd.f32 v1, v0;
	_ =	sdelay $0x1  }
0xce: {  	v0 =	vadd.f32 v2, v0;
	_ =	sdelay $0x1  }
0xcf: {  	[tilespmem:s18+$0x12290] =	vst v0  }
0xd0: {  	v0 =	vld [tilespmem:s17+$0xFFFFFDE0]  }
0xd1: {  	v1 =	vld [tilespmem:s17+$0xFFFFFE60];
	_ =	sdelay $0x1  }
0xd2: {  	v2 =	vld [tilespmem:s17+$0xFFFFFEE0];
	_ =	sdelay $0x1  }
0xd3: {  	v3 =	vld [tilespmem:s17+$0xFFFFFF60]  }
0xd4: {  	v0 =	vadd.f32 v1, v0  }
0xd5: {  	v1 =	vld [tilespmem:s17+$0xFFFFFFE0]  }
0xd6: {  	v0 =	vadd.f32 v2, v0  }
0xd7: {  	v2 =	vld [tilespmem:s17+$0x60]  }
0xd8: {  	v0 =	vadd.f32 v3, v0  }
0xd9: {  	v3 =	vld [tilespmem:s17+$0xE0]  }
0xda: {  	v0 =	vadd.f32 v1, v0  }
0xdb: {  	v1 =	vld [tilespmem:s17+$0x160]  }
0xdc: {  	v0 =	vadd.f32 v2, v0  }
0xdd: {  	v2 =	vld [tilespmem:s17+$0x1E0]  }
0xde: {  	v0 =	vadd.f32 v3, v0;
	_ =	sdelay $0x1  }
0xdf: {  	v0 =	vadd.f32 v1, v0;
	_ =	sdelay $0x1  }
0xe0: {  	v0 =	vadd.f32 v2, v0;
	_ =	sdelay $0x1  }
0xe1: {  	[tilespmem:s18+$0x122A0] =	vst v0  }
0xe2: {  	v0 =	vld [tilespmem:s17+$0xFFFFFDF0]  }
0xe3: {  	v1 =	vld [tilespmem:s17+$0xFFFFFE70]  }
0xe4: {  	v2 =	vld [tilespmem:s17+$0xFFFFFEF0];
	_ =	sdelay $0x2  }
0xe5: {  	v3 =	vld [tilespmem:s17+$0xFFFFFF70]  }
0xe6: {  	v0 =	vadd.f32 v1, v0  }
0xe7: {  	v1 =	vld [tilespmem:s17+$0xFFFFFFF0]  }
0xe8: {  	v0 =	vadd.f32 v2, v0  }
0xe9: {  	v2 =	vld [tilespmem:s17+$0x70]  }
0xea: {  	v0 =	vadd.f32 v3, v0  }
0xeb: {  	v3 =	vld [tilespmem:s17+$0xF0]  }
0xec: {  	v0 =	vadd.f32 v1, v0  }
0xed: {  	v1 =	vld [tilespmem:s17+$0x170]  }
0xee: {  	v0 =	vadd.f32 v2, v0  }
0xef: {  	v2 =	vld [tilespmem:s17+$0x1F0]  }
0xf0: {  	v0 =	vadd.f32 v3, v0;
	_ =	sdelay $0x1  }
0xf1: {  	v0 =	vadd.f32 v1, v0;
	_ =	sdelay $0x1  }
0xf2: {  	v0 =	vadd.f32 v2, v0;
	_ =	sdelay $0x1  }
0xf3: {  	[tilespmem:s18+$0x122B0] =	vst v0  }
0xf4: {  	v0 =	vld [tilespmem:s17+$0xFFFFFE00]  }
0xf5: {  	v1 =	vld [tilespmem:s17+$0xFFFFFE80]  }
0xf6: {  	v2 =	vld [tilespmem:s17+$0xFFFFFF00];
	_ =	sdelay $0x2  }
0xf7: {  	v3 =	vld [tilespmem:s17+$0xFFFFFF80]  }
0xf8: {  	v0 =	vadd.f32 v1, v0  }
0xf9: {  	v1 =	vld [tilespmem:s17+$0x0]  }
0xfa: {  	v0 =	vadd.f32 v2, v0  }
0xfb: {  	v2 =	vld [tilespmem:s17+$0x80]  }
0xfc: {  	v0 =	vadd.f32 v3, v0  }
0xfd: {  	v3 =	vld [tilespmem:s17+$0x100]  }
0xfe: {  	v0 =	vadd.f32 v1, v0  }
0xff: {  	v1 =	vld [tilespmem:s17+$0x180]  }
0x100: {  	v0 =	vadd.f32 v2, v0  }
0x101: {  	v2 =	vld [tilespmem:s17+$0x200]  }
0x102: {  	v0 =	vadd.f32 v3, v0;
	_ =	sdelay $0x1  }
0x103: {  	v0 =	vadd.f32 v1, v0;
	_ =	sdelay $0x1  }
0x104: {  	v0 =	vadd.f32 v2, v0;
	_ =	sdelay $0x1  }
0x105: {  	[tilespmem:s18+$0x122C0] =	vst v0  }
0x106: {  	v0 =	vld [tilespmem:s17+$0xFFFFFE10]  }
0x107: {  	v1 =	vld [tilespmem:s17+$0xFFFFFE90]  }
0x108: {  	v2 =	vld [tilespmem:s17+$0xFFFFFF10]  }
0x109: {  	v3 =	vld [tilespmem:s17+$0xFFFFFF90]  }
0x10a: {  	v4 =	vld [tilespmem:s17+$0x10]  }
0x10b: {  	v5 =	vld [tilespmem:s17+$0x90]  }
0x10c: {  	v0 =	vadd.f32 v1, v0;
	v1 =	vld [tilespmem:s17+$0x110]  }
0x10d: {  	v6 =	vld [tilespmem:s17+$0x190]  }
0x10e: {  	v0 =	vadd.f32 v2, v0;
	v2 =	vld [tilespmem:s17+$0x210];
	_ =	sdelay $0x1  }
0x10f: {  	v0 =	vadd.f32 v3, v0;
	_ =	sdelay $0x1  }
0x110: {  	v0 =	vadd.f32 v4, v0;
	_ =	sdelay $0x1  }
0x111: {  	v0 =	vadd.f32 v5, v0;
	_ =	sdelay $0x1  }
0x112: {  	v0 =	vadd.f32 v1, v0;
	_ =	sdelay $0x1  }
0x113: {  	v0 =	vadd.f32 v6, v0;
	_ =	sdelay $0x1  }
0x114: {  	v0 =	vadd.f32 v2, v0;
	_ =	sdelay $0x1  }
0x115: {  	[tilespmem:s18+$0x122D0] =	vst v0  }
0x116: {  	v0 =	vld [tilespmem:s17+$0xFFFFFE20]  }
0x117: {  	v1 =	vld [tilespmem:s17+$0xFFFFFEA0]  }
0x118: {  	v2 =	vld [tilespmem:s17+$0xFFFFFF20]  }
0x119: {  	v3 =	vld [tilespmem:s17+$0xFFFFFFA0]  }
0x11a: {  	v4 =	vld [tilespmem:s17+$0x20]  }
0x11b: {  	v5 =	vld [tilespmem:s17+$0xA0]  }
0x11c: {  	v0 =	vadd.f32 v1, v0;
	v1 =	vld [tilespmem:s17+$0x120]  }
0x11d: {  	v6 =	vld [tilespmem:s17+$0x1A0]  }
0x11e: {  	v0 =	vadd.f32 v2, v0;
	v2 =	vld [tilespmem:s17+$0x220];
	_ =	sdelay $0x1  }
0x11f: {  	v0 =	vadd.f32 v3, v0;
	_ =	sdelay $0x1  }
0x120: {  	v0 =	vadd.f32 v4, v0;
	_ =	sdelay $0x1  }
0x121: {  	v0 =	vadd.f32 v5, v0;
	_ =	sdelay $0x1  }
0x122: {  	v0 =	vadd.f32 v1, v0;
	_ =	sdelay $0x1  }
0x123: {  	v0 =	vadd.f32 v6, v0;
	_ =	sdelay $0x1  }
0x124: {  	v0 =	vadd.f32 v2, v0;
	_ =	sdelay $0x1  }
0x125: {  	[tilespmem:s18+$0x122E0] =	vst v0  }
0x126: {  	v1 =	vld [tilespmem:s17+$0xFFFFFE30]  }
0x127: {  	v2 =	vld [tilespmem:s17+$0xFFFFFEB0]  }
0x128: {  	v3 =	vld [tilespmem:s17+$0xFFFFFF30]  }
0x129: {  	v4 =	vld [tilespmem:s17+$0xFFFFFFB0]  }
0x12a: {  	v5 =	vld [tilespmem:s17+$0x30]  }
0x12b: {  	v0 =	vld [tilespmem:s17+$0xB0]  }
0x12c: {  	v6 =	vadd.f32 v2, v1;
	v1 =	vld [tilespmem:s17+$0x130]  }
0x12d: {  	v2 =	vld [tilespmem:s17+$0x1B0]  }
.Ltmp0:
0x12e: {  	v6 =	vadd.f32 v3, v6;
	v3 =	vld [tilespmem:s17+$0x230];
	(pc) =	sbr.rel @p0 .LBB2_3-.Ltmp0, $3  }
0x12f: {  	_ = 	snop  }
0x130: {  	v4 =	vadd.f32 v4, v6;
	_ =	sdelay $0x1  }
0x131: {  	v4 =	vadd.f32 v5, v4  }
0x132: {  	_ = 	snop  }
0x133: {  	v0 =	vadd.f32 v0, v4;
	_ =	sdelay $0x1  }
0x134: {  	v0 =	vadd.f32 v1, v0;
	_ =	sdelay $0x1  }
0x135: {  	v0 =	vadd.f32 v2, v0;
	_ =	sdelay $0x1  }
0x136: {  	s15 =	sadd.s32 $0x1, s15;
	v0 =	vadd.f32 v3, v0  }
0x137: {  	s16 =	sshll.u32 s16, $0x4;
	p0 =	sne.s32 s15, s7  }
.Ltmp1:
0x138: {  	s16 =	sadd.s32 s2, s16;
	[tilespmem:s18+$0x122F0] =	vst v0;
	(pc) =	sbr.rel @p0 .LBB2_2-.Ltmp1, $4  }
0x139: {  	[hbm4b:s16+s4] =	stream.linear.scatter [tilespmem:s13], [sflag:$0x2], $0x2000, $0x38;
	[tilespmem:$0x14280] =	vst v63  }
0x13a: {  	_ =	swait.ge [sflag:s9], $0x2000  }
0x13b: {  	[sflag:s9] =	ssyncset.done $0x0  }
0x13c: {  	[sflag:s9] =	ssyncadd.s32 $0xFFFFE000  }
0x13d: {  	s14 =	sadd.s32 $0x1, s14  }
0x13e: {  	p0 =	sne.s32 s14, s8  }
.Ltmp2:
0x13f: {  	_ = 	snop;
	(pc) =	sbr.rel @p0 .LBB2_1-.Ltmp2, $1  }
0x140: {  	_ =	sdelay $0x3  }
0x141: {  	_ =	sfence.sel $0x180000  }
0x142: {  	[bflag:$0x0] =	sbarrier.arrive $0xFFFF  }
0x143: {  	p0 =	sne.s32 s0, $0x0;
	_ =	strace $0x90000047  }
0x144: {  	s0 =	sadd.s32 @!p0 $0x100000, s1;
	[bflag:$0x2] =	sbarrier.arrive $0xFFFF  }
0x145: {  	[sflag:s0] =	ssyncadd.tile.s32 @!p0 $0x1;
	_ =	shalt  }
.Lfunc_end2:
_tile_overlayer_lowered:
.L_overlay_start_2:
0x146: {  	(tag) =	ssettag $0x2  }
0x147: {  	s0 =	rddreg [dreg:$0x0];
	s2 =	stileid.u32  }
0x148: {  	s1 =	rddreg [dreg:$0x1];
	p0 =	sne.s32 s2, $0x0  }
0x149: {  	s3 =	rddreg [dreg:$0x2];
	[bflag:$0x3] =	sbarrier.arrive $0xFFFF;
	s2 =	simm.s32 @!p0 $0x1C02  }
0x14a: {  	[timem:s3], [sflag:s2] =	dma.local @!p0 [hbm:s0], s1  }
0x14b: {  	s0 =	simm.s32 @!p0 $0x2  }
0x14c: {  	_ =	swait.ge @!p0 [sflag:s0], s1  }
0x14d: {  	s1 =	ssub.s32 @!p0 $0x0, s1;
	[sflag:s0] =	ssyncset.done @!p0 $0x0  }
0x14e: {  	[sflag:s0] =	ssyncadd.s32 @!p0 s1  }
0x14f: {  	[bflag:$0x3] =	sbarrier.arrive $0xFFFF  }
0x150: {  	_ =	shalt  }

</sc_bundles>
